<compile_context>
chip_gen: v7x
topology: tpu7x:2x2x1
jax: 0.10.2.dev20260603
libtpu: 0.0.44.dev20260713+nightly
codegen_flags: <defaults>
</compile_context>

<pallas_src>
import functools

import jax
import jax.numpy as jnp
import numpy as np
from jax import lax
from jax.experimental import pallas as pl
from jax.experimental.pallas import tpu as pltpu
from jax.experimental.pallas import tpu_sc as plsc

N = 65536
K_TOP = 960
NT = 16
CHUNK = N // NT
NCH = CHUNK // 16
OUT_LEN = K_TOP * (NT + 1)
INT_MIN = np.int32(-2147483648)


def _tc1_body(yp_ref, yt_ref, t_out, cnt_out):
    neg_inf = jnp.float32(-jnp.inf)
    w = jnp.where(yt_ref[...] > 0, neg_inf, yp_ref[...])
    u = lax.bitcast_convert_type(w, jnp.int32)
    ki = jnp.where(u < 0, ~u, u | INT_MIN)
    keys = lax.bitcast_convert_type(ki, jnp.uint32)

    def rbody(r, K):
        C = K | (jnp.uint32(1) << (jnp.uint32(31) - r.astype(jnp.uint32)))
        cnt = jnp.sum(jnp.where(keys >= C, 1, 0).astype(jnp.int32))
        return jnp.where(cnt >= K_TOP, C, K)

    kstar = lax.fori_loop(0, 32, rbody, jnp.uint32(0))

    kiv = lax.bitcast_convert_type(jnp.full((8, 128), kstar, jnp.uint32),
                                   jnp.int32)
    uiv = jnp.where(kiv < 0, kiv ^ INT_MIN, ~kiv)
    tv = lax.bitcast_convert_type(uiv, jnp.float32)
    t_out[0, 0] = jnp.max(tv)

    gt = jnp.where(keys > kstar, 1, 0).astype(jnp.int32)
    for s in range(NT):
        cnt_out[0, s] = jnp.sum(gt[s * 32:(s + 1) * 32, :])


def _sc_body(yp_hbm, yt_hbm, thr_hbm, cnt_hbm, out_hbm,
             yp_v, yt_v, thr_v, cnt_v, lbuf, idx_v, sem):
    wid = lax.axis_index("s")
    base = wid * CHUNK
    pltpu.sync_copy(yp_hbm.at[pl.ds(base, CHUNK)], yp_v)
    pltpu.sync_copy(yt_hbm.at[pl.ds(base, CHUNK)], yt_v)
    pltpu.sync_copy(thr_hbm.at[wid], thr_v)
    pltpu.sync_copy(cnt_hbm.at[wid], cnt_v)
    plsc.subcore_barrier()

    neg_inf = jnp.float32(-jnp.inf)
    tvec = thr_v[...]
    tu = lax.bitcast_convert_type(tvec, jnp.int32)
    tki = jnp.where(tu < 0, ~tu, tu | INT_MIN)
    kstar = lax.bitcast_convert_type(tki, jnp.uint32)

    cntv = cnt_v[...]
    p_t = jnp.int32(0)
    c_total = jnp.int32(0)
    for j in range(NT):
        c_total = c_total + cntv[j]
        p_t = p_t + jnp.where(j < wid, cntv[j], 0)

    for i in range((K_TOP + 16) // 16):
        lbuf[pl.ds(i * 16, 16)] = tvec

    def comp_body(i, off):
        v = yp_v[pl.ds(i * 16, 16)]
        t = yt_v[pl.ds(i * 16, 16)]
        w = jnp.where(t > 0, neg_inf, v)
        u = lax.bitcast_convert_type(w, jnp.int32)
        ki = jnp.where(u < 0, ~u, u | INT_MIN)
        kk = lax.bitcast_convert_type(ki, jnp.uint32)
        m = kk > kstar
        plsc.store_compressed(lbuf.at[pl.ds(off, 16)], w, mask=m)
        return off + plsc.all_reduce_population_count(m)[0]

    c_t = lax.fori_loop(0, NCH, comp_body, jnp.int32(0))

    limit = c_t + jnp.where(wid == NT - 1, jnp.int32(K_TOP) - c_total, 0)

    iota = lax.iota(jnp.int32, 16)

    def idx_body(i, _):
        lane = i * 16 + iota
        gi = p_t + lane
        dump = (wid + 1) * jnp.int32(K_TOP) + lane
        idx_v[pl.ds(i * 16, 16)] = jnp.where(lane < limit, gi, dump)
        return 0

    lax.fori_loop(0, K_TOP // 16, idx_body, 0)
    pltpu.sync_copy(lbuf.at[pl.ds(0, K_TOP)], out_hbm.at[idx_v])


_sc_compact = functools.partial(
    pl.kernel,
    mesh=plsc.VectorSubcoreMesh(core_axis_name="c", subcore_axis_name="s",
                                num_cores=1),
    compiler_params=pltpu.CompilerParams(needs_layout_passes=False),
    out_type=jax.ShapeDtypeStruct((OUT_LEN,), jnp.float32),
    scratch_types=[
        pltpu.VMEM((CHUNK,), jnp.float32),
        pltpu.VMEM((CHUNK,), jnp.int32),
        pltpu.VMEM((16,), jnp.float32),
        pltpu.VMEM((16,), jnp.int32),
        pltpu.VMEM((K_TOP + 16,), jnp.float32),
        pltpu.VMEM((K_TOP,), jnp.int32),
        pltpu.SemaphoreType.DMA,
    ],
)(_sc_body)


def _tc2_body(yp_ref, yt_ref, t_ref, out_ref):
    mask = yt_ref[...] > 0
    npos = jnp.sum(mask.astype(jnp.float32))
    q1 = jnp.where(mask, yp_ref[...], jnp.float32(jnp.inf)) - 1.0

    def body(j, carry):
        tacc, zacc, prod = carry
        tj = t_ref[j]
        x = tj - q1
        e = jnp.exp(-jnp.abs(x))
        prod = prod * (1.0 + e)
        sp = jnp.maximum(x, 0.0)
        eq = jnp.where(x == 1.0, 1.0, 0.0)
        tacc = tacc + jnp.sum(sp.reshape(64, 8, 128), axis=0)
        zacc = zacc + jnp.sum(eq.reshape(64, 8, 128), axis=0)
        return tacc, zacc, prod

    def group(g, carry):
        tacc, zacc = carry
        ones = jnp.ones((512, 128), jnp.float32)
        tacc, zacc, prod = lax.fori_loop(g * 24, g * 24 + 24, body,
                                         (tacc, zacc, ones))
        lp = jnp.log(prod)
        tacc = tacc + jnp.sum(lp.reshape(64, 8, 128), axis=0)
        return tacc, zacc

    zero8 = jnp.zeros((8, 128), jnp.float32)
    tacc, zacc = lax.fori_loop(0, K_TOP // 24, group, (zero8, zero8))
    tot = jnp.sum(tacc)
    nz = jnp.sum(zacc)
    sp1 = jnp.log1p(jnp.exp(jnp.float32(-1.0))) + 1.0
    count = npos * jnp.float32(K_TOP) - nz
    out_ref[0, 0] = (tot - sp1 * nz) / count


def kernel(y_pred, y_target, top_neg_count):
    del top_neg_count
    yp_flat = y_pred.reshape(-1)
    yt_flat = y_target.reshape(-1).astype(jnp.int32)
    yp2d = yp_flat.reshape(512, 128)
    yt2d = yt_flat.reshape(512, 128)

    t_scalar, cnts = pl.pallas_call(
        _tc1_body,
        out_shape=(
            jax.ShapeDtypeStruct((1, 1), jnp.float32),
            jax.ShapeDtypeStruct((1, NT), jnp.int32),
        ),
        in_specs=[
            pl.BlockSpec(memory_space=pltpu.VMEM),
            pl.BlockSpec(memory_space=pltpu.VMEM),
        ],
        out_specs=(
            pl.BlockSpec(memory_space=pltpu.SMEM),
            pl.BlockSpec(memory_space=pltpu.SMEM),
        ),
    )(yp2d, yt2d)

    thr_rep = jnp.broadcast_to(t_scalar.reshape(1, 1), (NT, 16))
    cnt_rep = jnp.broadcast_to(cnts.reshape(1, NT), (NT, NT))
    t_all = _sc_compact(yp_flat, yt_flat, thr_rep, cnt_rep)
    t_arr = t_all[:K_TOP]

    return pl.pallas_call(
        _tc2_body,
        out_shape=jax.ShapeDtypeStruct((1, 1), jnp.float32),
        in_specs=[
            pl.BlockSpec(memory_space=pltpu.VMEM),
            pl.BlockSpec(memory_space=pltpu.VMEM),
            pl.BlockSpec(memory_space=pltpu.SMEM),
        ],
        out_specs=pl.BlockSpec(memory_space=pltpu.SMEM),
    )(yp2d, yt2d, t_arr)

# --- scband reference (transcript-rebuilt; emitter-appended) ---
"""Pipeline reference for scband-soft-ranking-loss-395136991775 (READ-ONLY COPY).

The authoritative reference and input builder live on the scoring server;
editing this copy changes nothing except your own understanding.
"""

import jax, jax.numpy as jnp
import numpy as np


def setup_inputs(seed: int = 0) -> dict:
    key = jax.random.key(seed)
    k1, k2 = jax.random.split(key)
    y_pred = jax.random.normal(k1, (32, 2048), dtype=jnp.float32)
    y_target = jax.random.randint(k2, (32, 2048), 0, 2, dtype=jnp.int32)
    return {"y_pred": y_pred, "y_target": y_target, "top_neg_count": 30}


def reference(y_pred, y_target, top_neg_count=30):
    batch_sz = y_target.shape[0]
    yp = y_pred.reshape(-1)
    yt = (y_target.reshape(-1) > 0)
    tnc = jnp.asarray(top_neg_count, yp.dtype)
    zero_dep = tnc - tnc
    k = 30 * batch_sz
    neg_masked = jnp.where(yt, -jnp.inf, yp)
    top_neg, _ = jax.lax.top_k(neg_masked, k)
    diff = top_neg[None, :] - yp[:, None]
    valid = yt[:, None] & (diff != 0.0)
    soft_diff = jax.nn.softplus(diff + 1.0)
    total = jnp.sum(jnp.where(valid, soft_diff, 0.0))
    count = jnp.sum(valid)
    return (total / count + zero_dep).reshape(1, 1)

if __name__ == "__main__":
    import jax
    _d = setup_inputs()
    print(jax.jit(kernel)(*tuple(_d.values())))

</pallas_src>

<mosaic_0001>
#map = affine_map<(d0, d1) -> (0)>
#map1 = affine_map<(d0, d1) -> (0, 0)>
module attributes {stable_mosaic.version = 14 : i64} {
  func.func @_sc_body(%arg0: i32, %arg1: i32, %arg2: memref<65536xf32, #tpu.memory_space<hbm>>, %arg3: memref<65536xi32, #tpu.memory_space<hbm>>, %arg4: memref<16x16xf32, #tpu.memory_space<hbm>>, %arg5: memref<16x16xi32, #tpu.memory_space<hbm>>, %arg6: memref<16320xf32, #tpu.memory_space<hbm>>, %arg7: memref<4096xf32, #tpu.memory_space<vmem>>, %arg8: memref<4096xi32, #tpu.memory_space<vmem>>, %arg9: memref<16xf32, #tpu.memory_space<vmem>>, %arg10: memref<16xi32, #tpu.memory_space<vmem>>, %arg11: memref<976xf32, #tpu.memory_space<vmem>>, %arg12: memref<960xi32, #tpu.memory_space<vmem>>, %arg13: memref<!tpu.dma_semaphore, #tpu.memory_space<semaphore_mem>>) attributes {dimension_semantics = [#tpu.dimension_semantics<core_parallel>, #tpu.dimension_semantics<subcore_parallel>], iteration_bounds = array<i64: 1, 16>, scalar_prefetch = 0 : i64, scratch_operands = 7 : i64, tpu.core_type = #tpu.core_type<sc_vector_subcore>, window_params = [{transform_indices = #map}, {transform_indices = #map}, {transform_indices = #map1}, {transform_indices = #map1}, {transform_indices = #map}]} {
    %mul3A = arith.constant 4096 : i32
    %mul3A_0 = arith.muli %arg1, %mul3A : i32
    "tpu.region"() ({
      %run_scoped3A = tpu.sem_alloc : memref<!tpu.dma_semaphore, #tpu.memory_space<semaphore_mem>>
      %dma_start3A = tpu.memref_slice %arg2[%mul3A_0] : memref<65536xf32, #tpu.memory_space<hbm>> -> memref<4096xf32, #tpu.memory_space<hbm>>
      %dma_start3A_307 = tpu.memref_slice %arg2[%mul3A_0] : memref<65536xf32, #tpu.memory_space<hbm>> -> memref<4096xf32, #tpu.memory_space<hbm>>
      tpu.enqueue_dma source(%dma_start3A_307 : memref<4096xf32, #tpu.memory_space<hbm>>) target(%arg7 : memref<4096xf32, #tpu.memory_space<vmem>>) target_semaphore(%run_scoped3A : memref<!tpu.dma_semaphore, #tpu.memory_space<semaphore_mem>>)
      %dma_wait3A = tpu.memref_slice %arg2[%mul3A_0] : memref<65536xf32, #tpu.memory_space<hbm>> -> memref<4096xf32, #tpu.memory_space<hbm>>
      %dma_wait3A_308 = tpu.memref_slice %arg2[%mul3A_0] : memref<65536xf32, #tpu.memory_space<hbm>> -> memref<4096xf32, #tpu.memory_space<hbm>>
      tpu.wait_dma2 semaphore(%run_scoped3A : memref<!tpu.dma_semaphore, #tpu.memory_space<semaphore_mem>>) src(%dma_wait3A_308 : memref<4096xf32, #tpu.memory_space<hbm>>) dst(%arg7 : memref<4096xf32, #tpu.memory_space<vmem>>)
      tpu.yield
    }) : () -> ()
    "tpu.region"() ({
      %run_scoped3A = tpu.sem_alloc : memref<!tpu.dma_semaphore, #tpu.memory_space<semaphore_mem>>
      %dma_start3A = tpu.memref_slice %arg3[%mul3A_0] : memref<65536xi32, #tpu.memory_space<hbm>> -> memref<4096xi32, #tpu.memory_space<hbm>>
      %dma_start3A_307 = tpu.memref_slice %arg3[%mul3A_0] : memref<65536xi32, #tpu.memory_space<hbm>> -> memref<4096xi32, #tpu.memory_space<hbm>>
      tpu.enqueue_dma source(%dma_start3A_307 : memref<4096xi32, #tpu.memory_space<hbm>>) target(%arg8 : memref<4096xi32, #tpu.memory_space<vmem>>) target_semaphore(%run_scoped3A : memref<!tpu.dma_semaphore, #tpu.memory_space<semaphore_mem>>)
      %dma_wait3A = tpu.memref_slice %arg3[%mul3A_0] : memref<65536xi32, #tpu.memory_space<hbm>> -> memref<4096xi32, #tpu.memory_space<hbm>>
      %dma_wait3A_308 = tpu.memref_slice %arg3[%mul3A_0] : memref<65536xi32, #tpu.memory_space<hbm>> -> memref<4096xi32, #tpu.memory_space<hbm>>
      tpu.wait_dma2 semaphore(%run_scoped3A : memref<!tpu.dma_semaphore, #tpu.memory_space<semaphore_mem>>) src(%dma_wait3A_308 : memref<4096xi32, #tpu.memory_space<hbm>>) dst(%arg8 : memref<4096xi32, #tpu.memory_space<vmem>>)
      tpu.yield
    }) : () -> ()
    "tpu.region"() ({
      %run_scoped3A = tpu.sem_alloc : memref<!tpu.dma_semaphore, #tpu.memory_space<semaphore_mem>>
      %dma_start3A = arith.constant 0 : i32
      %dma_start3A_307 = tpu.memref_slice %arg4[%arg1, %dma_start3A] : memref<16x16xf32, #tpu.memory_space<hbm>> -> memref<1x16xf32, #tpu.memory_space<hbm>>
      %dma_start3A_308 = tpu.memref_squeeze %dma_start3A_307 : memref<1x16xf32, #tpu.memory_space<hbm>> -> memref<16xf32, #tpu.memory_space<hbm>>
      %dma_start3A_309 = arith.constant 0 : i32
      %dma_start3A_310 = tpu.memref_slice %arg4[%arg1, %dma_start3A_309] : memref<16x16xf32, #tpu.memory_space<hbm>> -> memref<1x16xf32, #tpu.memory_space<hbm>>
      %dma_start3A_311 = tpu.memref_squeeze %dma_start3A_310 : memref<1x16xf32, #tpu.memory_space<hbm>> -> memref<16xf32, #tpu.memory_space<hbm>>
      tpu.enqueue_dma source(%dma_start3A_311 : memref<16xf32, #tpu.memory_space<hbm>>) target(%arg9 : memref<16xf32, #tpu.memory_space<vmem>>) target_semaphore(%run_scoped3A : memref<!tpu.dma_semaphore, #tpu.memory_space<semaphore_mem>>)
      %dma_wait3A = arith.constant 0 : i32
      %dma_wait3A_312 = tpu.memref_slice %arg4[%arg1, %dma_wait3A] : memref<16x16xf32, #tpu.memory_space<hbm>> -> memref<1x16xf32, #tpu.memory_space<hbm>>
      %dma_wait3A_313 = tpu.memref_squeeze %dma_wait3A_312 : memref<1x16xf32, #tpu.memory_space<hbm>> -> memref<16xf32, #tpu.memory_space<hbm>>
      %dma_wait3A_314 = arith.constant 0 : i32
      %dma_wait3A_315 = tpu.memref_slice %arg4[%arg1, %dma_wait3A_314] : memref<16x16xf32, #tpu.memory_space<hbm>> -> memref<1x16xf32, #tpu.memory_space<hbm>>
      %dma_wait3A_316 = tpu.memref_squeeze %dma_wait3A_315 : memref<1x16xf32, #tpu.memory_space<hbm>> -> memref<16xf32, #tpu.memory_space<hbm>>
      tpu.wait_dma2 semaphore(%run_scoped3A : memref<!tpu.dma_semaphore, #tpu.memory_space<semaphore_mem>>) src(%dma_wait3A_316 : memref<16xf32, #tpu.memory_space<hbm>>) dst(%arg9 : memref<16xf32, #tpu.memory_space<vmem>>)
      tpu.yield
    }) : () -> ()
    "tpu.region"() ({
      %run_scoped3A = tpu.sem_alloc : memref<!tpu.dma_semaphore, #tpu.memory_space<semaphore_mem>>
      %dma_start3A = arith.constant 0 : i32
      %dma_start3A_307 = tpu.memref_slice %arg5[%arg1, %dma_start3A] : memref<16x16xi32, #tpu.memory_space<hbm>> -> memref<1x16xi32, #tpu.memory_space<hbm>>
      %dma_start3A_308 = tpu.memref_squeeze %dma_start3A_307 : memref<1x16xi32, #tpu.memory_space<hbm>> -> memref<16xi32, #tpu.memory_space<hbm>>
      %dma_start3A_309 = arith.constant 0 : i32
      %dma_start3A_310 = tpu.memref_slice %arg5[%arg1, %dma_start3A_309] : memref<16x16xi32, #tpu.memory_space<hbm>> -> memref<1x16xi32, #tpu.memory_space<hbm>>
      %dma_start3A_311 = tpu.memref_squeeze %dma_start3A_310 : memref<1x16xi32, #tpu.memory_space<hbm>> -> memref<16xi32, #tpu.memory_space<hbm>>
      tpu.enqueue_dma source(%dma_start3A_311 : memref<16xi32, #tpu.memory_space<hbm>>) target(%arg10 : memref<16xi32, #tpu.memory_space<vmem>>) target_semaphore(%run_scoped3A : memref<!tpu.dma_semaphore, #tpu.memory_space<semaphore_mem>>)
      %dma_wait3A = arith.constant 0 : i32
      %dma_wait3A_312 = tpu.memref_slice %arg5[%arg1, %dma_wait3A] : memref<16x16xi32, #tpu.memory_space<hbm>> -> memref<1x16xi32, #tpu.memory_space<hbm>>
      %dma_wait3A_313 = tpu.memref_squeeze %dma_wait3A_312 : memref<1x16xi32, #tpu.memory_space<hbm>> -> memref<16xi32, #tpu.memory_space<hbm>>
      %dma_wait3A_314 = arith.constant 0 : i32
      %dma_wait3A_315 = tpu.memref_slice %arg5[%arg1, %dma_wait3A_314] : memref<16x16xi32, #tpu.memory_space<hbm>> -> memref<1x16xi32, #tpu.memory_space<hbm>>
      %dma_wait3A_316 = tpu.memref_squeeze %dma_wait3A_315 : memref<1x16xi32, #tpu.memory_space<hbm>> -> memref<16xi32, #tpu.memory_space<hbm>>
      tpu.wait_dma2 semaphore(%run_scoped3A : memref<!tpu.dma_semaphore, #tpu.memory_space<semaphore_mem>>) src(%dma_wait3A_316 : memref<16xi32, #tpu.memory_space<hbm>>) dst(%arg10 : memref<16xi32, #tpu.memory_space<vmem>>)
      tpu.yield
    }) : () -> ()
    %barrier3A = arith.constant 0 : index
    tpu.barrier barrier_id(%barrier3A)
    %get3A = arith.constant 0 : index
    %get3A_1 = tpu.vector_load %arg9[%get3A] {strides = array<i32>} : memref<16xf32, #tpu.memory_space<vmem>>, vector<16xf32>,
    %bitcast_convert_type3A = tpu.bitcast %get3A_1 : vector<16xf32> -> vector<16xi32>
    %lt3A = arith.constant 0 : i32
    %lt3A_2 = vector.broadcast %lt3A : i32 to vector<16xi32>
    %lt3A_3 = arith.cmpi slt, %bitcast_convert_type3A, %lt3A_2 : vector<16xi32>
    %not3A = arith.constant dense<-1> : vector<16xi32>
    %not3A_4 = arith.xori %bitcast_convert_type3A, %not3A : vector<16xi32>
    %or3A = arith.constant -2147483648 : i32
    %or3A_5 = vector.broadcast %or3A : i32 to vector<16xi32>
    %or3A_6 = arith.ori %bitcast_convert_type3A, %or3A_5 : vector<16xi32>
    %select_n3A = arith.select %lt3A_3, %not3A_4, %or3A_6 : vector<16xi1>, vector<16xi32>
    %bitcast_convert_type3A_7 = tpu.bitcast %select_n3A : vector<16xi32> -> vector<16xi32>
    %get3A_8 = arith.constant 0 : index
    %get3A_9 = tpu.vector_load %arg10[%get3A_8] {strides = array<i32>} : memref<16xi32, #tpu.memory_space<vmem>>, vector<16xi32>,
    %slice3A = vector.extract_strided_slice %get3A_9 {offsets = [0], sizes = [1], strides = [1]} : vector<16xi32> to vector<1xi32>
    %squeeze3A = vector.extract %slice3A[0] : i32 from vector<1xi32>
    %add3A = arith.constant 0 : i32
    %add3A_10 = arith.addi %add3A, %squeeze3A : i32
    %gt3A = arith.constant 0 : i32
    %gt3A_11 = arith.cmpi sgt, %arg1, %gt3A : i32
    %slice3A_12 = vector.extract_strided_slice %get3A_9 {offsets = [0], sizes = [1], strides = [1]} : vector<16xi32> to vector<1xi32>
    %squeeze3A_13 = vector.extract %slice3A_12[0] : i32 from vector<1xi32>
    %jit3A = arith.constant 0 : i32
    %select_n3A_14 = arith.select %gt3A_11, %squeeze3A_13, %jit3A : i32
    %add3A_15 = arith.constant 0 : i32
    %add3A_16 = arith.addi %add3A_15, %select_n3A_14 : i32
    %slice3A_17 = vector.extract_strided_slice %get3A_9 {offsets = [1], sizes = [1], strides = [1]} : vector<16xi32> to vector<1xi32>
    %squeeze3A_18 = vector.extract %slice3A_17[0] : i32 from vector<1xi32>
    %add3A_19 = arith.addi %add3A_10, %squeeze3A_18 : i32
    %gt3A_20 = arith.constant 1 : i32
    %gt3A_21 = arith.cmpi sgt, %arg1, %gt3A_20 : i32
    %slice3A_22 = vector.extract_strided_slice %get3A_9 {offsets = [1], sizes = [1], strides = [1]} : vector<16xi32> to vector<1xi32>
    %squeeze3A_23 = vector.extract %slice3A_22[0] : i32 from vector<1xi32>
    %jit3A_24 = arith.constant 0 : i32
    %select_n3A_25 = arith.select %gt3A_21, %squeeze3A_23, %jit3A_24 : i32
    %add3A_26 = arith.addi %add3A_16, %select_n3A_25 : i32
    %slice3A_27 = vector.extract_strided_slice %get3A_9 {offsets = [2], sizes = [1], strides = [1]} : vector<16xi32> to vector<1xi32>
    %squeeze3A_28 = vector.extract %slice3A_27[0] : i32 from vector<1xi32>
    %add3A_29 = arith.addi %add3A_19, %squeeze3A_28 : i32
    %gt3A_30 = arith.constant 2 : i32
    %gt3A_31 = arith.cmpi sgt, %arg1, %gt3A_30 : i32
    %slice3A_32 = vector.extract_strided_slice %get3A_9 {offsets = [2], sizes = [1], strides = [1]} : vector<16xi32> to vector<1xi32>
    %squeeze3A_33 = vector.extract %slice3A_32[0] : i32 from vector<1xi32>
    %jit3A_34 = arith.constant 0 : i32
    %select_n3A_35 = arith.select %gt3A_31, %squeeze3A_33, %jit3A_34 : i32
    %add3A_36 = arith.addi %add3A_26, %select_n3A_35 : i32
    %slice3A_37 = vector.extract_strided_slice %get3A_9 {offsets = [3], sizes = [1], strides = [1]} : vector<16xi32> to vector<1xi32>
    %squeeze3A_38 = vector.extract %slice3A_37[0] : i32 from vector<1xi32>
    %add3A_39 = arith.addi %add3A_29, %squeeze3A_38 : i32
    %gt3A_40 = arith.constant 3 : i32
    %gt3A_41 = arith.cmpi sgt, %arg1, %gt3A_40 : i32
    %slice3A_42 = vector.extract_strided_slice %get3A_9 {offsets = [3], sizes = [1], strides = [1]} : vector<16xi32> to vector<1xi32>
    %squeeze3A_43 = vector.extract %slice3A_42[0] : i32 from vector<1xi32>
    %jit3A_44 = arith.constant 0 : i32
    %select_n3A_45 = arith.select %gt3A_41, %squeeze3A_43, %jit3A_44 : i32
    %add3A_46 = arith.addi %add3A_36, %select_n3A_45 : i32
    %slice3A_47 = vector.extract_strided_slice %get3A_9 {offsets = [4], sizes = [1], strides = [1]} : vector<16xi32> to vector<1xi32>
    %squeeze3A_48 = vector.extract %slice3A_47[0] : i32 from vector<1xi32>
    %add3A_49 = arith.addi %add3A_39, %squeeze3A_48 : i32
    %gt3A_50 = arith.constant 4 : i32
    %gt3A_51 = arith.cmpi sgt, %arg1, %gt3A_50 : i32
    %slice3A_52 = vector.extract_strided_slice %get3A_9 {offsets = [4], sizes = [1], strides = [1]} : vector<16xi32> to vector<1xi32>
    %squeeze3A_53 = vector.extract %slice3A_52[0] : i32 from vector<1xi32>
    %jit3A_54 = arith.constant 0 : i32
    %select_n3A_55 = arith.select %gt3A_51, %squeeze3A_53, %jit3A_54 : i32
    %add3A_56 = arith.addi %add3A_46, %select_n3A_55 : i32
    %slice3A_57 = vector.extract_strided_slice %get3A_9 {offsets = [5], sizes = [1], strides = [1]} : vector<16xi32> to vector<1xi32>
    %squeeze3A_58 = vector.extract %slice3A_57[0] : i32 from vector<1xi32>
    %add3A_59 = arith.addi %add3A_49, %squeeze3A_58 : i32
    %gt3A_60 = arith.constant 5 : i32
    %gt3A_61 = arith.cmpi sgt, %arg1, %gt3A_60 : i32
    %slice3A_62 = vector.extract_strided_slice %get3A_9 {offsets = [5], sizes = [1], strides = [1]} : vector<16xi32> to vector<1xi32>
    %squeeze3A_63 = vector.extract %slice3A_62[0] : i32 from vector<1xi32>
    %jit3A_64 = arith.constant 0 : i32
    %select_n3A_65 = arith.select %gt3A_61, %squeeze3A_63, %jit3A_64 : i32
    %add3A_66 = arith.addi %add3A_56, %select_n3A_65 : i32
    %slice3A_67 = vector.extract_strided_slice %get3A_9 {offsets = [6], sizes = [1], strides = [1]} : vector<16xi32> to vector<1xi32>
    %squeeze3A_68 = vector.extract %slice3A_67[0] : i32 from vector<1xi32>
    %add3A_69 = arith.addi %add3A_59, %squeeze3A_68 : i32
    %gt3A_70 = arith.constant 6 : i32
    %gt3A_71 = arith.cmpi sgt, %arg1, %gt3A_70 : i32
    %slice3A_72 = vector.extract_strided_slice %get3A_9 {offsets = [6], sizes = [1], strides = [1]} : vector<16xi32> to vector<1xi32>
    %squeeze3A_73 = vector.extract %slice3A_72[0] : i32 from vector<1xi32>
    %jit3A_74 = arith.constant 0 : i32
    %select_n3A_75 = arith.select %gt3A_71, %squeeze3A_73, %jit3A_74 : i32
    %add3A_76 = arith.addi %add3A_66, %select_n3A_75 : i32
    %slice3A_77 = vector.extract_strided_slice %get3A_9 {offsets = [7], sizes = [1], strides = [1]} : vector<16xi32> to vector<1xi32>
    %squeeze3A_78 = vector.extract %slice3A_77[0] : i32 from vector<1xi32>
    %add3A_79 = arith.addi %add3A_69, %squeeze3A_78 : i32
    %gt3A_80 = arith.constant 7 : i32
    %gt3A_81 = arith.cmpi sgt, %arg1, %gt3A_80 : i32
    %slice3A_82 = vector.extract_strided_slice %get3A_9 {offsets = [7], sizes = [1], strides = [1]} : vector<16xi32> to vector<1xi32>
    %squeeze3A_83 = vector.extract %slice3A_82[0] : i32 from vector<1xi32>
    %jit3A_84 = arith.constant 0 : i32
    %select_n3A_85 = arith.select %gt3A_81, %squeeze3A_83, %jit3A_84 : i32
    %add3A_86 = arith.addi %add3A_76, %select_n3A_85 : i32
    %slice3A_87 = vector.extract_strided_slice %get3A_9 {offsets = [8], sizes = [1], strides = [1]} : vector<16xi32> to vector<1xi32>
    %squeeze3A_88 = vector.extract %slice3A_87[0] : i32 from vector<1xi32>
    %add3A_89 = arith.addi %add3A_79, %squeeze3A_88 : i32
    %gt3A_90 = arith.constant 8 : i32
    %gt3A_91 = arith.cmpi sgt, %arg1, %gt3A_90 : i32
    %slice3A_92 = vector.extract_strided_slice %get3A_9 {offsets = [8], sizes = [1], strides = [1]} : vector<16xi32> to vector<1xi32>
    %squeeze3A_93 = vector.extract %slice3A_92[0] : i32 from vector<1xi32>
    %jit3A_94 = arith.constant 0 : i32
    %select_n3A_95 = arith.select %gt3A_91, %squeeze3A_93, %jit3A_94 : i32
    %add3A_96 = arith.addi %add3A_86, %select_n3A_95 : i32
    %slice3A_97 = vector.extract_strided_slice %get3A_9 {offsets = [9], sizes = [1], strides = [1]} : vector<16xi32> to vector<1xi32>
    %squeeze3A_98 = vector.extract %slice3A_97[0] : i32 from vector<1xi32>
    %add3A_99 = arith.addi %add3A_89, %squeeze3A_98 : i32
    %gt3A_100 = arith.constant 9 : i32
    %gt3A_101 = arith.cmpi sgt, %arg1, %gt3A_100 : i32
    %slice3A_102 = vector.extract_strided_slice %get3A_9 {offsets = [9], sizes = [1], strides = [1]} : vector<16xi32> to vector<1xi32>
    %squeeze3A_103 = vector.extract %slice3A_102[0] : i32 from vector<1xi32>
    %jit3A_104 = arith.constant 0 : i32
    %select_n3A_105 = arith.select %gt3A_101, %squeeze3A_103, %jit3A_104 : i32
    %add3A_106 = arith.addi %add3A_96, %select_n3A_105 : i32
    %slice3A_107 = vector.extract_strided_slice %get3A_9 {offsets = [10], sizes = [1], strides = [1]} : vector<16xi32> to vector<1xi32>
    %squeeze3A_108 = vector.extract %slice3A_107[0] : i32 from vector<1xi32>
    %add3A_109 = arith.addi %add3A_99, %squeeze3A_108 : i32
    %gt3A_110 = arith.constant 10 : i32
    %gt3A_111 = arith.cmpi sgt, %arg1, %gt3A_110 : i32
    %slice3A_112 = vector.extract_strided_slice %get3A_9 {offsets = [10], sizes = [1], strides = [1]} : vector<16xi32> to vector<1xi32>
    %squeeze3A_113 = vector.extract %slice3A_112[0] : i32 from vector<1xi32>
    %jit3A_114 = arith.constant 0 : i32
    %select_n3A_115 = arith.select %gt3A_111, %squeeze3A_113, %jit3A_114 : i32
    %add3A_116 = arith.addi %add3A_106, %select_n3A_115 : i32
    %slice3A_117 = vector.extract_strided_slice %get3A_9 {offsets = [11], sizes = [1], strides = [1]} : vector<16xi32> to vector<1xi32>
    %squeeze3A_118 = vector.extract %slice3A_117[0] : i32 from vector<1xi32>
    %add3A_119 = arith.addi %add3A_109, %squeeze3A_118 : i32
    %gt3A_120 = arith.constant 11 : i32
    %gt3A_121 = arith.cmpi sgt, %arg1, %gt3A_120 : i32
    %slice3A_122 = vector.extract_strided_slice %get3A_9 {offsets = [11], sizes = [1], strides = [1]} : vector<16xi32> to vector<1xi32>
    %squeeze3A_123 = vector.extract %slice3A_122[0] : i32 from vector<1xi32>
    %jit3A_124 = arith.constant 0 : i32
    %select_n3A_125 = arith.select %gt3A_121, %squeeze3A_123, %jit3A_124 : i32
    %add3A_126 = arith.addi %add3A_116, %select_n3A_125 : i32
    %slice3A_127 = vector.extract_strided_slice %get3A_9 {offsets = [12], sizes = [1], strides = [1]} : vector<16xi32> to vector<1xi32>
    %squeeze3A_128 = vector.extract %slice3A_127[0] : i32 from vector<1xi32>
    %add3A_129 = arith.addi %add3A_119, %squeeze3A_128 : i32
    %gt3A_130 = arith.constant 12 : i32
    %gt3A_131 = arith.cmpi sgt, %arg1, %gt3A_130 : i32
    %slice3A_132 = vector.extract_strided_slice %get3A_9 {offsets = [12], sizes = [1], strides = [1]} : vector<16xi32> to vector<1xi32>
    %squeeze3A_133 = vector.extract %slice3A_132[0] : i32 from vector<1xi32>
    %jit3A_134 = arith.constant 0 : i32
    %select_n3A_135 = arith.select %gt3A_131, %squeeze3A_133, %jit3A_134 : i32
    %add3A_136 = arith.addi %add3A_126, %select_n3A_135 : i32
    %slice3A_137 = vector.extract_strided_slice %get3A_9 {offsets = [13], sizes = [1], strides = [1]} : vector<16xi32> to vector<1xi32>
    %squeeze3A_138 = vector.extract %slice3A_137[0] : i32 from vector<1xi32>
    %add3A_139 = arith.addi %add3A_129, %squeeze3A_138 : i32
    %gt3A_140 = arith.constant 13 : i32
    %gt3A_141 = arith.cmpi sgt, %arg1, %gt3A_140 : i32
    %slice3A_142 = vector.extract_strided_slice %get3A_9 {offsets = [13], sizes = [1], strides = [1]} : vector<16xi32> to vector<1xi32>
    %squeeze3A_143 = vector.extract %slice3A_142[0] : i32 from vector<1xi32>
    %jit3A_144 = arith.constant 0 : i32
    %select_n3A_145 = arith.select %gt3A_141, %squeeze3A_143, %jit3A_144 : i32
    %add3A_146 = arith.addi %add3A_136, %select_n3A_145 : i32
    %slice3A_147 = vector.extract_strided_slice %get3A_9 {offsets = [14], sizes = [1], strides = [1]} : vector<16xi32> to vector<1xi32>
    %squeeze3A_148 = vector.extract %slice3A_147[0] : i32 from vector<1xi32>
    %add3A_149 = arith.addi %add3A_139, %squeeze3A_148 : i32
    %gt3A_150 = arith.constant 14 : i32
    %gt3A_151 = arith.cmpi sgt, %arg1, %gt3A_150 : i32
    %slice3A_152 = vector.extract_strided_slice %get3A_9 {offsets = [14], sizes = [1], strides = [1]} : vector<16xi32> to vector<1xi32>
    %squeeze3A_153 = vector.extract %slice3A_152[0] : i32 from vector<1xi32>
    %jit3A_154 = arith.constant 0 : i32
    %select_n3A_155 = arith.select %gt3A_151, %squeeze3A_153, %jit3A_154 : i32
    %add3A_156 = arith.addi %add3A_146, %select_n3A_155 : i32
    %slice3A_157 = vector.extract_strided_slice %get3A_9 {offsets = [15], sizes = [1], strides = [1]} : vector<16xi32> to vector<1xi32>
    %squeeze3A_158 = vector.extract %slice3A_157[0] : i32 from vector<1xi32>
    %add3A_159 = arith.addi %add3A_149, %squeeze3A_158 : i32
    %gt3A_160 = arith.constant 15 : i32
    %gt3A_161 = arith.cmpi sgt, %arg1, %gt3A_160 : i32
    %slice3A_162 = vector.extract_strided_slice %get3A_9 {offsets = [15], sizes = [1], strides = [1]} : vector<16xi32> to vector<1xi32>
    %squeeze3A_163 = vector.extract %slice3A_162[0] : i32 from vector<1xi32>
    %jit3A_164 = arith.constant 0 : i32
    %select_n3A_165 = arith.select %gt3A_161, %squeeze3A_163, %jit3A_164 : i32
    %add3A_166 = arith.addi %add3A_156, %select_n3A_165 : i32
    %swap3A = arith.constant 0 : index
    %swap3A_167 = tpu.vector_load %arg11[%swap3A] {strides = array<i32>} : memref<976xf32, #tpu.memory_space<vmem>>, vector<16xf32>,
    tpu.vector_store %arg11[%swap3A], %get3A_1 {strides = array<i32>} : memref<976xf32, #tpu.memory_space<vmem>>, vector<16xf32>,
    %swap3A_168 = arith.constant 16 : index
    %swap3A_169 = tpu.vector_load %arg11[%swap3A_168] {strides = array<i32>} : memref<976xf32, #tpu.memory_space<vmem>>, vector<16xf32>,
    tpu.vector_store %arg11[%swap3A_168], %get3A_1 {strides = array<i32>} : memref<976xf32, #tpu.memory_space<vmem>>, vector<16xf32>,
    %swap3A_170 = arith.constant 32 : index
    %swap3A_171 = tpu.vector_load %arg11[%swap3A_170] {strides = array<i32>} : memref<976xf32, #tpu.memory_space<vmem>>, vector<16xf32>,
    tpu.vector_store %arg11[%swap3A_170], %get3A_1 {strides = array<i32>} : memref<976xf32, #tpu.memory_space<vmem>>, vector<16xf32>,
    %swap3A_172 = arith.constant 48 : index
    %swap3A_173 = tpu.vector_load %arg11[%swap3A_172] {strides = array<i32>} : memref<976xf32, #tpu.memory_space<vmem>>, vector<16xf32>,
    tpu.vector_store %arg11[%swap3A_172], %get3A_1 {strides = array<i32>} : memref<976xf32, #tpu.memory_space<vmem>>, vector<16xf32>,
    %swap3A_174 = arith.constant 64 : index
    %swap3A_175 = tpu.vector_load %arg11[%swap3A_174] {strides = array<i32>} : memref<976xf32, #tpu.memory_space<vmem>>, vector<16xf32>,
    tpu.vector_store %arg11[%swap3A_174], %get3A_1 {strides = array<i32>} : memref<976xf32, #tpu.memory_space<vmem>>, vector<16xf32>,
    %swap3A_176 = arith.constant 80 : index
    %swap3A_177 = tpu.vector_load %arg11[%swap3A_176] {strides = array<i32>} : memref<976xf32, #tpu.memory_space<vmem>>, vector<16xf32>,
    tpu.vector_store %arg11[%swap3A_176], %get3A_1 {strides = array<i32>} : memref<976xf32, #tpu.memory_space<vmem>>, vector<16xf32>,
    %swap3A_178 = arith.constant 96 : index
    %swap3A_179 = tpu.vector_load %arg11[%swap3A_178] {strides = array<i32>} : memref<976xf32, #tpu.memory_space<vmem>>, vector<16xf32>,
    tpu.vector_store %arg11[%swap3A_178], %get3A_1 {strides = array<i32>} : memref<976xf32, #tpu.memory_space<vmem>>, vector<16xf32>,
    %swap3A_180 = arith.constant 112 : index
    %swap3A_181 = tpu.vector_load %arg11[%swap3A_180] {strides = array<i32>} : memref<976xf32, #tpu.memory_space<vmem>>, vector<16xf32>,
    tpu.vector_store %arg11[%swap3A_180], %get3A_1 {strides = array<i32>} : memref<976xf32, #tpu.memory_space<vmem>>, vector<16xf32>,
    %swap3A_182 = arith.constant 128 : index
    %swap3A_183 = tpu.vector_load %arg11[%swap3A_182] {strides = array<i32>} : memref<976xf32, #tpu.memory_space<vmem>>, vector<16xf32>,
    tpu.vector_store %arg11[%swap3A_182], %get3A_1 {strides = array<i32>} : memref<976xf32, #tpu.memory_space<vmem>>, vector<16xf32>,
    %swap3A_184 = arith.constant 144 : index
    %swap3A_185 = tpu.vector_load %arg11[%swap3A_184] {strides = array<i32>} : memref<976xf32, #tpu.memory_space<vmem>>, vector<16xf32>,
    tpu.vector_store %arg11[%swap3A_184], %get3A_1 {strides = array<i32>} : memref<976xf32, #tpu.memory_space<vmem>>, vector<16xf32>,
    %swap3A_186 = arith.constant 160 : index
    %swap3A_187 = tpu.vector_load %arg11[%swap3A_186] {strides = array<i32>} : memref<976xf32, #tpu.memory_space<vmem>>, vector<16xf32>,
    tpu.vector_store %arg11[%swap3A_186], %get3A_1 {strides = array<i32>} : memref<976xf32, #tpu.memory_space<vmem>>, vector<16xf32>,
    %swap3A_188 = arith.constant 176 : index
    %swap3A_189 = tpu.vector_load %arg11[%swap3A_188] {strides = array<i32>} : memref<976xf32, #tpu.memory_space<vmem>>, vector<16xf32>,
    tpu.vector_store %arg11[%swap3A_188], %get3A_1 {strides = array<i32>} : memref<976xf32, #tpu.memory_space<vmem>>, vector<16xf32>,
    %swap3A_190 = arith.constant 192 : index
    %swap3A_191 = tpu.vector_load %arg11[%swap3A_190] {strides = array<i32>} : memref<976xf32, #tpu.memory_space<vmem>>, vector<16xf32>,
    tpu.vector_store %arg11[%swap3A_190], %get3A_1 {strides = array<i32>} : memref<976xf32, #tpu.memory_space<vmem>>, vector<16xf32>,
    %swap3A_192 = arith.constant 208 : index
    %swap3A_193 = tpu.vector_load %arg11[%swap3A_192] {strides = array<i32>} : memref<976xf32, #tpu.memory_space<vmem>>, vector<16xf32>,
    tpu.vector_store %arg11[%swap3A_192], %get3A_1 {strides = array<i32>} : memref<976xf32, #tpu.memory_space<vmem>>, vector<16xf32>,
    %swap3A_194 = arith.constant 224 : index
    %swap3A_195 = tpu.vector_load %arg11[%swap3A_194] {strides = array<i32>} : memref<976xf32, #tpu.memory_space<vmem>>, vector<16xf32>,
    tpu.vector_store %arg11[%swap3A_194], %get3A_1 {strides = array<i32>} : memref<976xf32, #tpu.memory_space<vmem>>, vector<16xf32>,
    %swap3A_196 = arith.constant 240 : index
    %swap3A_197 = tpu.vector_load %arg11[%swap3A_196] {strides = array<i32>} : memref<976xf32, #tpu.memory_space<vmem>>, vector<16xf32>,
    tpu.vector_store %arg11[%swap3A_196], %get3A_1 {strides = array<i32>} : memref<976xf32, #tpu.memory_space<vmem>>, vector<16xf32>,
    %swap3A_198 = arith.constant 256 : index
    %swap3A_199 = tpu.vector_load %arg11[%swap3A_198] {strides = array<i32>} : memref<976xf32, #tpu.memory_space<vmem>>, vector<16xf32>,
    tpu.vector_store %arg11[%swap3A_198], %get3A_1 {strides = array<i32>} : memref<976xf32, #tpu.memory_space<vmem>>, vector<16xf32>,
    %swap3A_200 = arith.constant 272 : index
    %swap3A_201 = tpu.vector_load %arg11[%swap3A_200] {strides = array<i32>} : memref<976xf32, #tpu.memory_space<vmem>>, vector<16xf32>,
    tpu.vector_store %arg11[%swap3A_200], %get3A_1 {strides = array<i32>} : memref<976xf32, #tpu.memory_space<vmem>>, vector<16xf32>,
    %swap3A_202 = arith.constant 288 : index
    %swap3A_203 = tpu.vector_load %arg11[%swap3A_202] {strides = array<i32>} : memref<976xf32, #tpu.memory_space<vmem>>, vector<16xf32>,
    tpu.vector_store %arg11[%swap3A_202], %get3A_1 {strides = array<i32>} : memref<976xf32, #tpu.memory_space<vmem>>, vector<16xf32>,
    %swap3A_204 = arith.constant 304 : index
    %swap3A_205 = tpu.vector_load %arg11[%swap3A_204] {strides = array<i32>} : memref<976xf32, #tpu.memory_space<vmem>>, vector<16xf32>,
    tpu.vector_store %arg11[%swap3A_204], %get3A_1 {strides = array<i32>} : memref<976xf32, #tpu.memory_space<vmem>>, vector<16xf32>,
    %swap3A_206 = arith.constant 320 : index
    %swap3A_207 = tpu.vector_load %arg11[%swap3A_206] {strides = array<i32>} : memref<976xf32, #tpu.memory_space<vmem>>, vector<16xf32>,
    tpu.vector_store %arg11[%swap3A_206], %get3A_1 {strides = array<i32>} : memref<976xf32, #tpu.memory_space<vmem>>, vector<16xf32>,
    %swap3A_208 = arith.constant 336 : index
    %swap3A_209 = tpu.vector_load %arg11[%swap3A_208] {strides = array<i32>} : memref<976xf32, #tpu.memory_space<vmem>>, vector<16xf32>,
    tpu.vector_store %arg11[%swap3A_208], %get3A_1 {strides = array<i32>} : memref<976xf32, #tpu.memory_space<vmem>>, vector<16xf32>,
    %swap3A_210 = arith.constant 352 : index
    %swap3A_211 = tpu.vector_load %arg11[%swap3A_210] {strides = array<i32>} : memref<976xf32, #tpu.memory_space<vmem>>, vector<16xf32>,
    tpu.vector_store %arg11[%swap3A_210], %get3A_1 {strides = array<i32>} : memref<976xf32, #tpu.memory_space<vmem>>, vector<16xf32>,
    %swap3A_212 = arith.constant 368 : index
    %swap3A_213 = tpu.vector_load %arg11[%swap3A_212] {strides = array<i32>} : memref<976xf32, #tpu.memory_space<vmem>>, vector<16xf32>,
    tpu.vector_store %arg11[%swap3A_212], %get3A_1 {strides = array<i32>} : memref<976xf32, #tpu.memory_space<vmem>>, vector<16xf32>,
    %swap3A_214 = arith.constant 384 : index
    %swap3A_215 = tpu.vector_load %arg11[%swap3A_214] {strides = array<i32>} : memref<976xf32, #tpu.memory_space<vmem>>, vector<16xf32>,
    tpu.vector_store %arg11[%swap3A_214], %get3A_1 {strides = array<i32>} : memref<976xf32, #tpu.memory_space<vmem>>, vector<16xf32>,
    %swap3A_216 = arith.constant 400 : index
    %swap3A_217 = tpu.vector_load %arg11[%swap3A_216] {strides = array<i32>} : memref<976xf32, #tpu.memory_space<vmem>>, vector<16xf32>,
    tpu.vector_store %arg11[%swap3A_216], %get3A_1 {strides = array<i32>} : memref<976xf32, #tpu.memory_space<vmem>>, vector<16xf32>,
    %swap3A_218 = arith.constant 416 : index
    %swap3A_219 = tpu.vector_load %arg11[%swap3A_218] {strides = array<i32>} : memref<976xf32, #tpu.memory_space<vmem>>, vector<16xf32>,
    tpu.vector_store %arg11[%swap3A_218], %get3A_1 {strides = array<i32>} : memref<976xf32, #tpu.memory_space<vmem>>, vector<16xf32>,
    %swap3A_220 = arith.constant 432 : index
    %swap3A_221 = tpu.vector_load %arg11[%swap3A_220] {strides = array<i32>} : memref<976xf32, #tpu.memory_space<vmem>>, vector<16xf32>,
    tpu.vector_store %arg11[%swap3A_220], %get3A_1 {strides = array<i32>} : memref<976xf32, #tpu.memory_space<vmem>>, vector<16xf32>,
    %swap3A_222 = arith.constant 448 : index
    %swap3A_223 = tpu.vector_load %arg11[%swap3A_222] {strides = array<i32>} : memref<976xf32, #tpu.memory_space<vmem>>, vector<16xf32>,
    tpu.vector_store %arg11[%swap3A_222], %get3A_1 {strides = array<i32>} : memref<976xf32, #tpu.memory_space<vmem>>, vector<16xf32>,
    %swap3A_224 = arith.constant 464 : index
    %swap3A_225 = tpu.vector_load %arg11[%swap3A_224] {strides = array<i32>} : memref<976xf32, #tpu.memory_space<vmem>>, vector<16xf32>,
    tpu.vector_store %arg11[%swap3A_224], %get3A_1 {strides = array<i32>} : memref<976xf32, #tpu.memory_space<vmem>>, vector<16xf32>,
    %swap3A_226 = arith.constant 480 : index
    %swap3A_227 = tpu.vector_load %arg11[%swap3A_226] {strides = array<i32>} : memref<976xf32, #tpu.memory_space<vmem>>, vector<16xf32>,
    tpu.vector_store %arg11[%swap3A_226], %get3A_1 {strides = array<i32>} : memref<976xf32, #tpu.memory_space<vmem>>, vector<16xf32>,
    %swap3A_228 = arith.constant 496 : index
    %swap3A_229 = tpu.vector_load %arg11[%swap3A_228] {strides = array<i32>} : memref<976xf32, #tpu.memory_space<vmem>>, vector<16xf32>,
    tpu.vector_store %arg11[%swap3A_228], %get3A_1 {strides = array<i32>} : memref<976xf32, #tpu.memory_space<vmem>>, vector<16xf32>,
    %swap3A_230 = arith.constant 512 : index
    %swap3A_231 = tpu.vector_load %arg11[%swap3A_230] {strides = array<i32>} : memref<976xf32, #tpu.memory_space<vmem>>, vector<16xf32>,
    tpu.vector_store %arg11[%swap3A_230], %get3A_1 {strides = array<i32>} : memref<976xf32, #tpu.memory_space<vmem>>, vector<16xf32>,
    %swap3A_232 = arith.constant 528 : index
    %swap3A_233 = tpu.vector_load %arg11[%swap3A_232] {strides = array<i32>} : memref<976xf32, #tpu.memory_space<vmem>>, vector<16xf32>,
    tpu.vector_store %arg11[%swap3A_232], %get3A_1 {strides = array<i32>} : memref<976xf32, #tpu.memory_space<vmem>>, vector<16xf32>,
    %swap3A_234 = arith.constant 544 : index
    %swap3A_235 = tpu.vector_load %arg11[%swap3A_234] {strides = array<i32>} : memref<976xf32, #tpu.memory_space<vmem>>, vector<16xf32>,
    tpu.vector_store %arg11[%swap3A_234], %get3A_1 {strides = array<i32>} : memref<976xf32, #tpu.memory_space<vmem>>, vector<16xf32>,
    %swap3A_236 = arith.constant 560 : index
    %swap3A_237 = tpu.vector_load %arg11[%swap3A_236] {strides = array<i32>} : memref<976xf32, #tpu.memory_space<vmem>>, vector<16xf32>,
    tpu.vector_store %arg11[%swap3A_236], %get3A_1 {strides = array<i32>} : memref<976xf32, #tpu.memory_space<vmem>>, vector<16xf32>,
    %swap3A_238 = arith.constant 576 : index
    %swap3A_239 = tpu.vector_load %arg11[%swap3A_238] {strides = array<i32>} : memref<976xf32, #tpu.memory_space<vmem>>, vector<16xf32>,
    tpu.vector_store %arg11[%swap3A_238], %get3A_1 {strides = array<i32>} : memref<976xf32, #tpu.memory_space<vmem>>, vector<16xf32>,
    %swap3A_240 = arith.constant 592 : index
    %swap3A_241 = tpu.vector_load %arg11[%swap3A_240] {strides = array<i32>} : memref<976xf32, #tpu.memory_space<vmem>>, vector<16xf32>,
    tpu.vector_store %arg11[%swap3A_240], %get3A_1 {strides = array<i32>} : memref<976xf32, #tpu.memory_space<vmem>>, vector<16xf32>,
    %swap3A_242 = arith.constant 608 : index
    %swap3A_243 = tpu.vector_load %arg11[%swap3A_242] {strides = array<i32>} : memref<976xf32, #tpu.memory_space<vmem>>, vector<16xf32>,
    tpu.vector_store %arg11[%swap3A_242], %get3A_1 {strides = array<i32>} : memref<976xf32, #tpu.memory_space<vmem>>, vector<16xf32>,
    %swap3A_244 = arith.constant 624 : index
    %swap3A_245 = tpu.vector_load %arg11[%swap3A_244] {strides = array<i32>} : memref<976xf32, #tpu.memory_space<vmem>>, vector<16xf32>,
    tpu.vector_store %arg11[%swap3A_244], %get3A_1 {strides = array<i32>} : memref<976xf32, #tpu.memory_space<vmem>>, vector<16xf32>,
    %swap3A_246 = arith.constant 640 : index
    %swap3A_247 = tpu.vector_load %arg11[%swap3A_246] {strides = array<i32>} : memref<976xf32, #tpu.memory_space<vmem>>, vector<16xf32>,
    tpu.vector_store %arg11[%swap3A_246], %get3A_1 {strides = array<i32>} : memref<976xf32, #tpu.memory_space<vmem>>, vector<16xf32>,
    %swap3A_248 = arith.constant 656 : index
    %swap3A_249 = tpu.vector_load %arg11[%swap3A_248] {strides = array<i32>} : memref<976xf32, #tpu.memory_space<vmem>>, vector<16xf32>,
    tpu.vector_store %arg11[%swap3A_248], %get3A_1 {strides = array<i32>} : memref<976xf32, #tpu.memory_space<vmem>>, vector<16xf32>,
    %swap3A_250 = arith.constant 672 : index
    %swap3A_251 = tpu.vector_load %arg11[%swap3A_250] {strides = array<i32>} : memref<976xf32, #tpu.memory_space<vmem>>, vector<16xf32>,
    tpu.vector_store %arg11[%swap3A_250], %get3A_1 {strides = array<i32>} : memref<976xf32, #tpu.memory_space<vmem>>, vector<16xf32>,
    %swap3A_252 = arith.constant 688 : index
    %swap3A_253 = tpu.vector_load %arg11[%swap3A_252] {strides = array<i32>} : memref<976xf32, #tpu.memory_space<vmem>>, vector<16xf32>,
    tpu.vector_store %arg11[%swap3A_252], %get3A_1 {strides = array<i32>} : memref<976xf32, #tpu.memory_space<vmem>>, vector<16xf32>,
    %swap3A_254 = arith.constant 704 : index
    %swap3A_255 = tpu.vector_load %arg11[%swap3A_254] {strides = array<i32>} : memref<976xf32, #tpu.memory_space<vmem>>, vector<16xf32>,
    tpu.vector_store %arg11[%swap3A_254], %get3A_1 {strides = array<i32>} : memref<976xf32, #tpu.memory_space<vmem>>, vector<16xf32>,
    %swap3A_256 = arith.constant 720 : index
    %swap3A_257 = tpu.vector_load %arg11[%swap3A_256] {strides = array<i32>} : memref<976xf32, #tpu.memory_space<vmem>>, vector<16xf32>,
    tpu.vector_store %arg11[%swap3A_256], %get3A_1 {strides = array<i32>} : memref<976xf32, #tpu.memory_space<vmem>>, vector<16xf32>,
    %swap3A_258 = arith.constant 736 : index
    %swap3A_259 = tpu.vector_load %arg11[%swap3A_258] {strides = array<i32>} : memref<976xf32, #tpu.memory_space<vmem>>, vector<16xf32>,
    tpu.vector_store %arg11[%swap3A_258], %get3A_1 {strides = array<i32>} : memref<976xf32, #tpu.memory_space<vmem>>, vector<16xf32>,
    %swap3A_260 = arith.constant 752 : index
    %swap3A_261 = tpu.vector_load %arg11[%swap3A_260] {strides = array<i32>} : memref<976xf32, #tpu.memory_space<vmem>>, vector<16xf32>,
    tpu.vector_store %arg11[%swap3A_260], %get3A_1 {strides = array<i32>} : memref<976xf32, #tpu.memory_space<vmem>>, vector<16xf32>,
    %swap3A_262 = arith.constant 768 : index
    %swap3A_263 = tpu.vector_load %arg11[%swap3A_262] {strides = array<i32>} : memref<976xf32, #tpu.memory_space<vmem>>, vector<16xf32>,
    tpu.vector_store %arg11[%swap3A_262], %get3A_1 {strides = array<i32>} : memref<976xf32, #tpu.memory_space<vmem>>, vector<16xf32>,
    %swap3A_264 = arith.constant 784 : index
    %swap3A_265 = tpu.vector_load %arg11[%swap3A_264] {strides = array<i32>} : memref<976xf32, #tpu.memory_space<vmem>>, vector<16xf32>,
    tpu.vector_store %arg11[%swap3A_264], %get3A_1 {strides = array<i32>} : memref<976xf32, #tpu.memory_space<vmem>>, vector<16xf32>,
    %swap3A_266 = arith.constant 800 : index
    %swap3A_267 = tpu.vector_load %arg11[%swap3A_266] {strides = array<i32>} : memref<976xf32, #tpu.memory_space<vmem>>, vector<16xf32>,
    tpu.vector_store %arg11[%swap3A_266], %get3A_1 {strides = array<i32>} : memref<976xf32, #tpu.memory_space<vmem>>, vector<16xf32>,
    %swap3A_268 = arith.constant 816 : index
    %swap3A_269 = tpu.vector_load %arg11[%swap3A_268] {strides = array<i32>} : memref<976xf32, #tpu.memory_space<vmem>>, vector<16xf32>,
    tpu.vector_store %arg11[%swap3A_268], %get3A_1 {strides = array<i32>} : memref<976xf32, #tpu.memory_space<vmem>>, vector<16xf32>,
    %swap3A_270 = arith.constant 832 : index
    %swap3A_271 = tpu.vector_load %arg11[%swap3A_270] {strides = array<i32>} : memref<976xf32, #tpu.memory_space<vmem>>, vector<16xf32>,
    tpu.vector_store %arg11[%swap3A_270], %get3A_1 {strides = array<i32>} : memref<976xf32, #tpu.memory_space<vmem>>, vector<16xf32>,
    %swap3A_272 = arith.constant 848 : index
    %swap3A_273 = tpu.vector_load %arg11[%swap3A_272] {strides = array<i32>} : memref<976xf32, #tpu.memory_space<vmem>>, vector<16xf32>,
    tpu.vector_store %arg11[%swap3A_272], %get3A_1 {strides = array<i32>} : memref<976xf32, #tpu.memory_space<vmem>>, vector<16xf32>,
    %swap3A_274 = arith.constant 864 : index
    %swap3A_275 = tpu.vector_load %arg11[%swap3A_274] {strides = array<i32>} : memref<976xf32, #tpu.memory_space<vmem>>, vector<16xf32>,
    tpu.vector_store %arg11[%swap3A_274], %get3A_1 {strides = array<i32>} : memref<976xf32, #tpu.memory_space<vmem>>, vector<16xf32>,
    %swap3A_276 = arith.constant 880 : index
    %swap3A_277 = tpu.vector_load %arg11[%swap3A_276] {strides = array<i32>} : memref<976xf32, #tpu.memory_space<vmem>>, vector<16xf32>,
    tpu.vector_store %arg11[%swap3A_276], %get3A_1 {strides = array<i32>} : memref<976xf32, #tpu.memory_space<vmem>>, vector<16xf32>,
    %swap3A_278 = arith.constant 896 : index
    %swap3A_279 = tpu.vector_load %arg11[%swap3A_278] {strides = array<i32>} : memref<976xf32, #tpu.memory_space<vmem>>, vector<16xf32>,
    tpu.vector_store %arg11[%swap3A_278], %get3A_1 {strides = array<i32>} : memref<976xf32, #tpu.memory_space<vmem>>, vector<16xf32>,
    %swap3A_280 = arith.constant 912 : index
    %swap3A_281 = tpu.vector_load %arg11[%swap3A_280] {strides = array<i32>} : memref<976xf32, #tpu.memory_space<vmem>>, vector<16xf32>,
    tpu.vector_store %arg11[%swap3A_280], %get3A_1 {strides = array<i32>} : memref<976xf32, #tpu.memory_space<vmem>>, vector<16xf32>,
    %swap3A_282 = arith.constant 928 : index
    %swap3A_283 = tpu.vector_load %arg11[%swap3A_282] {strides = array<i32>} : memref<976xf32, #tpu.memory_space<vmem>>, vector<16xf32>,
    tpu.vector_store %arg11[%swap3A_282], %get3A_1 {strides = array<i32>} : memref<976xf32, #tpu.memory_space<vmem>>, vector<16xf32>,
    %swap3A_284 = arith.constant 944 : index
    %swap3A_285 = tpu.vector_load %arg11[%swap3A_284] {strides = array<i32>} : memref<976xf32, #tpu.memory_space<vmem>>, vector<16xf32>,
    tpu.vector_store %arg11[%swap3A_284], %get3A_1 {strides = array<i32>} : memref<976xf32, #tpu.memory_space<vmem>>, vector<16xf32>,
    %swap3A_286 = arith.constant 960 : index
    %swap3A_287 = tpu.vector_load %arg11[%swap3A_286] {strides = array<i32>} : memref<976xf32, #tpu.memory_space<vmem>>, vector<16xf32>,
    tpu.vector_store %arg11[%swap3A_286], %get3A_1 {strides = array<i32>} : memref<976xf32, #tpu.memory_space<vmem>>, vector<16xf32>,
    %scan3A = arith.constant 0xFF800000 : f32
    %scan3A_288 = arith.constant 0 : i32
    %scan3A_289 = arith.constant 0 : i32
    %scan3A_290 = arith.constant 256 : i32
    %scan3A_291 = arith.addi %scan3A_289, %scan3A_290 : i32
    %scan3A_292 = arith.constant 1 : i32
    %scan3A_293 = scf.for %scan3A_307 = %scan3A_289 to %scan3A_291 step %scan3A_292 iter_args(%scan3A_308 = %scan3A_288) -> (i32)  : i32 {
      %mul3A_309 = arith.constant 16 : i32
      %mul3A_310 = arith.muli %scan3A_307, %mul3A_309 : i32
      %get3A_311 = arith.index_cast %mul3A_310 : i32 to index
      %get3A_312 = tpu.vector_load %arg7[%get3A_311] {strides = array<i32>} : memref<4096xf32, #tpu.memory_space<vmem>>, vector<16xf32>,
      %mul3A_313 = arith.constant 16 : i32
      %mul3A_314 = arith.muli %scan3A_307, %mul3A_313 : i32
      %get3A_315 = arith.index_cast %mul3A_314 : i32 to index
      %get3A_316 = tpu.vector_load %arg8[%get3A_315] {strides = array<i32>} : memref<4096xi32, #tpu.memory_space<vmem>>, vector<16xi32>,
      %gt3A_317 = arith.constant 0 : i32
      %gt3A_318 = vector.broadcast %gt3A_317 : i32 to vector<16xi32>
      %gt3A_319 = arith.cmpi sgt, %get3A_316, %gt3A_318 : vector<16xi32>
      %broadcast_in_dim3A = vector.broadcast %scan3A : f32 to vector<16xf32>
      %select_n3A_320 = arith.select %gt3A_319, %broadcast_in_dim3A, %get3A_312 : vector<16xi1>, vector<16xf32>
      %bitcast_convert_type3A_321 = tpu.bitcast %select_n3A_320 : vector<16xf32> -> vector<16xi32>
      %lt3A_322 = arith.constant 0 : i32
      %lt3A_323 = vector.broadcast %lt3A_322 : i32 to vector<16xi32>
      %lt3A_324 = arith.cmpi slt, %bitcast_convert_type3A_321, %lt3A_323 : vector<16xi32>
      %not3A_325 = arith.constant dense<-1> : vector<16xi32>
      %not3A_326 = arith.xori %bitcast_convert_type3A_321, %not3A_325 : vector<16xi32>
      %or3A_327 = arith.constant -2147483648 : i32
      %or3A_328 = vector.broadcast %or3A_327 : i32 to vector<16xi32>
      %or3A_329 = arith.ori %bitcast_convert_type3A_321, %or3A_328 : vector<16xi32>
      %select_n3A_330 = arith.select %lt3A_324, %not3A_326, %or3A_329 : vector<16xi1>, vector<16xi32>
      %bitcast_convert_type3A_331 = tpu.bitcast %select_n3A_330 : vector<16xi32> -> vector<16xi32>
      %gt3A_332 = arith.cmpi ugt, %bitcast_convert_type3A_331, %bitcast_convert_type3A_7 : vector<16xi32>
      %swap3A_333 = arith.index_cast %scan3A_308 : i32 to index
      %swap3A_334 = tpu.vector_load %arg11[%swap3A_333] masked %gt3A_332 {strides = array<i32>} : memref<976xf32, #tpu.memory_space<vmem>>, vector<16xf32>, vector<16xi1>
      tpu.vector_store %arg11[%swap3A_333], %select_n3A_320 masked %gt3A_332 {strides = array<i32>} : memref<976xf32, #tpu.memory_space<vmem>>, vector<16xf32>, vector<16xi1>
      %all_reduce_population_count3A = tpu.all_reduce %gt3A_332 {dim = 0 : i64, kind = #tpu.reduction_kind<sum>} : vector<16xi1> -> vector<16xi32>
      %slice3A_335 = vector.extract_strided_slice %all_reduce_population_count3A {offsets = [0], sizes = [1], strides = [1]} : vector<16xi32> to vector<1xi32>
      %squeeze3A_336 = vector.extract %slice3A_335[0] : i32 from vector<1xi32>
      %add3A_337 = arith.addi %scan3A_308, %squeeze3A_336 : i32
      scf.yield %add3A_337 : i32
    }
    %scan3A_294 = arith.constant 256 : i32
    %eq3A = arith.constant 15 : i32
    %eq3A_295 = arith.cmpi eq, %arg1, %eq3A : i32
    %sub3A = arith.constant 960 : i32
    %sub3A_296 = arith.subi %sub3A, %add3A_159 : i32
    %jit3A_297 = arith.constant 0 : i32
    %select_n3A_298 = arith.select %eq3A_295, %sub3A_296, %jit3A_297 : i32
    %add3A_299 = arith.addi %scan3A_293, %select_n3A_298 : i32
    %iota3A = tpu.iota {dimensions = array<i32: 0>} : vector<16xi32>
    %scan3A_300 = arith.constant 0 : i32
    %scan3A_301 = arith.constant 0 : i32
    %scan3A_302 = arith.constant 60 : i32
    %scan3A_303 = arith.addi %scan3A_301, %scan3A_302 : i32
    %scan3A_304 = arith.constant 1 : i32
    %scan3A_305 = scf.for %scan3A_307 = %scan3A_301 to %scan3A_303 step %scan3A_304 iter_args(%scan3A_308 = %scan3A_300) -> (i32)  : i32 {
      %mul3A_309 = arith.constant 16 : i32
      %mul3A_310 = arith.muli %scan3A_307, %mul3A_309 : i32
      %add3A_311 = vector.broadcast %mul3A_310 : i32 to vector<16xi32>
      %add3A_312 = arith.addi %add3A_311, %iota3A : vector<16xi32>
      %add3A_313 = vector.broadcast %add3A_166 : i32 to vector<16xi32>
      %add3A_314 = arith.addi %add3A_313, %add3A_312 : vector<16xi32>
      %add3A_315 = arith.constant 1 : i32
      %add3A_316 = arith.addi %arg1, %add3A_315 : i32
      %mul3A_317 = arith.constant 960 : i32
      %mul3A_318 = arith.muli %add3A_316, %mul3A_317 : i32
      %add3A_319 = vector.broadcast %mul3A_318 : i32 to vector<16xi32>
      %add3A_320 = arith.addi %add3A_319, %add3A_312 : vector<16xi32>
      %lt3A_321 = vector.broadcast %add3A_299 : i32 to vector<16xi32>
      %lt3A_322 = arith.cmpi slt, %add3A_312, %lt3A_321 : vector<16xi32>
      %select_n3A_323 = arith.select %lt3A_322, %add3A_314, %add3A_320 : vector<16xi1>, vector<16xi32>
      %mul3A_324 = arith.constant 16 : i32
      %mul3A_325 = arith.muli %scan3A_307, %mul3A_324 : i32
      %swap3A_326 = arith.index_cast %mul3A_325 : i32 to index
      %swap3A_327 = tpu.vector_load %arg12[%swap3A_326] {strides = array<i32>} : memref<960xi32, #tpu.memory_space<vmem>>, vector<16xi32>,
      tpu.vector_store %arg12[%swap3A_326], %select_n3A_323 {strides = array<i32>} : memref<960xi32, #tpu.memory_space<vmem>>, vector<16xi32>,
      %scan3A_328 = arith.constant 0 : i32
      scf.yield %scan3A_328 : i32
    }
    %scan3A_306 = arith.constant 60 : i32
    "tpu.region"() ({
      %run_scoped3A = tpu.sem_alloc : memref<!tpu.dma_semaphore, #tpu.memory_space<semaphore_mem>>
      %dma_start3A = arith.constant 0 : i32
      %dma_start3A_307 = tpu.memref_slice %arg11[%dma_start3A] : memref<976xf32, #tpu.memory_space<vmem>> -> memref<960xf32, #tpu.memory_space<vmem>>
      %dma_start3A_308 = arith.constant 0 : i32
      %dma_start3A_309 = tpu.memref_slice %arg6[%dma_start3A_308] : memref<16320xf32, #tpu.memory_space<hbm>> -> memref<16320xf32, #tpu.memory_space<hbm>>
      tpu.enqueue_indirect_dma source(%dma_start3A_307 : memref<960xf32, #tpu.memory_space<vmem>>) target(%dma_start3A_309 : memref<16320xf32, #tpu.memory_space<hbm>>) offsets(%arg12 : memref<960xi32, #tpu.memory_space<vmem>>) semaphore(%run_scoped3A : memref<!tpu.dma_semaphore, #tpu.memory_space<semaphore_mem>>)
      %dma_wait3A = arith.constant 0 : i32
      %dma_wait3A_310 = tpu.memref_slice %arg11[%dma_wait3A] : memref<976xf32, #tpu.memory_space<vmem>> -> memref<960xf32, #tpu.memory_space<vmem>>
      %dma_wait3A_311 = arith.constant 0 : i32
      %dma_wait3A_312 = tpu.memref_slice %arg6[%dma_wait3A_311] : memref<16320xf32, #tpu.memory_space<hbm>> -> memref<16320xf32, #tpu.memory_space<hbm>>
      tpu.wait_indirect_dma semaphore(%run_scoped3A : memref<!tpu.dma_semaphore, #tpu.memory_space<semaphore_mem>>) src(%dma_wait3A_310 : memref<960xf32, #tpu.memory_space<vmem>>) dst(%dma_wait3A_312 : memref<16320xf32, #tpu.memory_space<hbm>>)
      tpu.yield
    }) : () -> ()
    return
  }
}

module attributes {stable_mosaic.version = 14 : i64} {
  func.func @_tc1_body(%arg0: memref<512x128xf32, #tpu.memory_space<vmem>>, %arg1: memref<512x128xi32, #tpu.memory_space<vmem>>, %arg2: memref<1x1xf32, #tpu.memory_space<smem>>, %arg3: memref<1x16xi32, #tpu.memory_space<smem>>) attributes {dimension_semantics = [], scalar_prefetch = 0 : i64, scratch_operands = 0 : i64, tpu.core_type = #tpu.core_type<tc>} {
    %get3A = arith.constant 0 : index
    %get3A_0 = arith.constant 0 : index
    %get3A_1 = vector.load %arg1[%get3A, %get3A_0] : memref<512x128xi32, #tpu.memory_space<vmem>>, vector<512x128xi32>
    %gt3A = arith.constant 0 : i32
    %gt3A_2 = vector.broadcast %gt3A : i32 to vector<512x128xi32>
    %gt3A_3 = arith.cmpi sgt, %get3A_1, %gt3A_2 : vector<512x128xi32>
    %get3A_4 = arith.constant 0 : index
    %get3A_5 = arith.constant 0 : index
    %get3A_6 = vector.load %arg0[%get3A_4, %get3A_5] : memref<512x128xf32, #tpu.memory_space<vmem>>, vector<512x128xf32>
    %jit3A = arith.constant 0xFF800000 : f32
    %broadcast_in_dim3A = vector.broadcast %jit3A : f32 to vector<512x128xf32>
    %select_n3A = arith.select %gt3A_3, %broadcast_in_dim3A, %get3A_6 : vector<512x128xi1>, vector<512x128xf32>
    %bitcast_convert_type3A = tpu.bitcast %select_n3A : vector<512x128xf32> -> vector<512x128xi32>
    %lt3A = arith.constant 0 : i32
    %lt3A_7 = vector.broadcast %lt3A : i32 to vector<512x128xi32>
    %lt3A_8 = arith.cmpi slt, %bitcast_convert_type3A, %lt3A_7 : vector<512x128xi32>
    %not3A = arith.constant dense<-1> : vector<512x128xi32>
    %not3A_9 = arith.xori %bitcast_convert_type3A, %not3A : vector<512x128xi32>
    %or3A = arith.constant -2147483648 : i32
    %or3A_10 = vector.broadcast %or3A : i32 to vector<512x128xi32>
    %or3A_11 = arith.ori %bitcast_convert_type3A, %or3A_10 : vector<512x128xi32>
    %select_n3A_12 = arith.select %lt3A_8, %not3A_9, %or3A_11 : vector<512x128xi1>, vector<512x128xi32>
    %bitcast_convert_type3A_13 = tpu.bitcast %select_n3A_12 : vector<512x128xi32> -> vector<512x128xi32>
    %scan3A = arith.constant 0 : i32
    %scan3A_14 = arith.constant 0 : i32
    %scan3A_15 = arith.constant 32 : i32
    %scan3A_16 = arith.addi %scan3A_14, %scan3A_15 : i32
    %scan3A_17 = arith.constant 1 : i32
    %scan3A_18 = scf.for %scan3A_186 = %scan3A_14 to %scan3A_16 step %scan3A_17 iter_args(%scan3A_187 = %scan3A) -> (i32)  : i32 {
      %sub3A = arith.constant 31 : i32
      %sub3A_188 = arith.subi %sub3A, %scan3A_186 : i32
      %shift_left3A = arith.constant 1 : i32
      %shift_left3A_189 = arith.shli %shift_left3A, %sub3A_188 : i32
      %or3A_190 = arith.ori %scan3A_187, %shift_left3A_189 : i32
      %ge3A = vector.broadcast %or3A_190 : i32 to vector<512x128xi32>
      %ge3A_191 = arith.cmpi uge, %bitcast_convert_type3A_13, %ge3A : vector<512x128xi32>
      %jit3A_192 = arith.constant 1 : i32
      %jit3A_193 = arith.constant 0 : i32
      %broadcast_in_dim3A_194 = vector.broadcast %jit3A_192 : i32 to vector<512x128xi32>
      %broadcast_in_dim3A_195 = vector.broadcast %jit3A_193 : i32 to vector<512x128xi32>
      %select_n3A_196 = arith.select %ge3A_191, %broadcast_in_dim3A_194, %broadcast_in_dim3A_195 : vector<512x128xi1>, vector<512x128xi32>
      %reduce_sum3A_197 = vector.shape_cast %select_n3A_196 : vector<512x128xi32> to vector<1x512x128xi32>
      %reduce_sum3A_198 = arith.constant dense<0> : vector<1xi32>
      %reduce_sum3A_199 = vector.multi_reduction <add>, %reduce_sum3A_197, %reduce_sum3A_198 [1, 2] : vector<1x512x128xi32> to vector<1xi32>
      %reduce_sum3A_200 = vector.shape_cast %reduce_sum3A_199 : vector<1xi32> to vector<1x1x1xi32>
      %reduce_sum3A_201 = vector.extract %reduce_sum3A_200[0, 0, 0] : i32 from vector<1x1x1xi32>
      %ge3A_202 = arith.constant 960 : i32
      %ge3A_203 = arith.cmpi sge, %reduce_sum3A_201, %ge3A_202 : i32
      %select_n3A_204 = arith.select %ge3A_203, %or3A_190, %scan3A_187 : i32
      scf.yield %select_n3A_204 : i32
    }
    %scan3A_19 = arith.constant 32 : i32
    %broadcast_in_dim3A_20 = vector.broadcast %scan3A_18 : i32 to vector<8x128xi32>
    %bitcast_convert_type3A_21 = tpu.bitcast %broadcast_in_dim3A_20 : vector<8x128xi32> -> vector<8x128xi32>
    %lt3A_22 = arith.constant 0 : i32
    %lt3A_23 = vector.broadcast %lt3A_22 : i32 to vector<8x128xi32>
    %lt3A_24 = arith.cmpi slt, %bitcast_convert_type3A_21, %lt3A_23 : vector<8x128xi32>
    %xor3A = arith.constant -2147483648 : i32
    %xor3A_25 = vector.broadcast %xor3A : i32 to vector<8x128xi32>
    %xor3A_26 = arith.xori %bitcast_convert_type3A_21, %xor3A_25 : vector<8x128xi32>
    %not3A_27 = arith.constant dense<-1> : vector<8x128xi32>
    %not3A_28 = arith.xori %bitcast_convert_type3A_21, %not3A_27 : vector<8x128xi32>
    %select_n3A_29 = arith.select %lt3A_24, %xor3A_26, %not3A_28 : vector<8x128xi1>, vector<8x128xi32>
    %bitcast_convert_type3A_30 = tpu.bitcast %select_n3A_29 : vector<8x128xi32> -> vector<8x128xf32>
    %reduce_max3A = vector.shape_cast %bitcast_convert_type3A_30 : vector<8x128xf32> to vector<1x8x128xf32>
    %reduce_max3A_31 = arith.constant dense<0xFF800000> : vector<1xf32>
    %reduce_max3A_32 = vector.multi_reduction <maximumf>, %reduce_max3A, %reduce_max3A_31 [1, 2] : vector<1x8x128xf32> to vector<1xf32>
    %reduce_max3A_33 = vector.shape_cast %reduce_max3A_32 : vector<1xf32> to vector<1x1x1xf32>
    %reduce_max3A_34 = vector.extract %reduce_max3A_33[0, 0, 0] : f32 from vector<1x1x1xf32>
    %swap3A = arith.constant 0 : index
    %swap3A_35 = arith.constant 0 : index
    %swap3A_36 = memref.load %arg2[%swap3A, %swap3A_35] : memref<1x1xf32, #tpu.memory_space<smem>>
    memref.store %reduce_max3A_34, %arg2[%swap3A, %swap3A_35] : memref<1x1xf32, #tpu.memory_space<smem>>
    %gt3A_37 = vector.broadcast %scan3A_18 : i32 to vector<512x128xi32>
    %gt3A_38 = arith.cmpi ugt, %bitcast_convert_type3A_13, %gt3A_37 : vector<512x128xi32>
    %jit3A_39 = arith.constant 1 : i32
    %jit3A_40 = arith.constant 0 : i32
    %broadcast_in_dim3A_41 = vector.broadcast %jit3A_39 : i32 to vector<512x128xi32>
    %broadcast_in_dim3A_42 = vector.broadcast %jit3A_40 : i32 to vector<512x128xi32>
    %select_n3A_43 = arith.select %gt3A_38, %broadcast_in_dim3A_41, %broadcast_in_dim3A_42 : vector<512x128xi1>, vector<512x128xi32>
    %slice3A = vector.extract_strided_slice %select_n3A_43 {offsets = [0, 0], sizes = [32, 128], strides = [1, 1]} : vector<512x128xi32> to vector<32x128xi32>
    %reduce_sum3A = vector.shape_cast %slice3A : vector<32x128xi32> to vector<1x32x128xi32>
    %reduce_sum3A_44 = arith.constant dense<0> : vector<1xi32>
    %reduce_sum3A_45 = vector.multi_reduction <add>, %reduce_sum3A, %reduce_sum3A_44 [1, 2] : vector<1x32x128xi32> to vector<1xi32>
    %reduce_sum3A_46 = vector.shape_cast %reduce_sum3A_45 : vector<1xi32> to vector<1x1x1xi32>
    %reduce_sum3A_47 = vector.extract %reduce_sum3A_46[0, 0, 0] : i32 from vector<1x1x1xi32>
    %swap3A_48 = arith.constant 0 : index
    %swap3A_49 = arith.constant 0 : index
    %swap3A_50 = memref.load %arg3[%swap3A_48, %swap3A_49] : memref<1x16xi32, #tpu.memory_space<smem>>
    memref.store %reduce_sum3A_47, %arg3[%swap3A_48, %swap3A_49] : memref<1x16xi32, #tpu.memory_space<smem>>
    %slice3A_51 = vector.extract_strided_slice %select_n3A_43 {offsets = [32, 0], sizes = [32, 128], strides = [1, 1]} : vector<512x128xi32> to vector<32x128xi32>
    %reduce_sum3A_52 = vector.shape_cast %slice3A_51 : vector<32x128xi32> to vector<1x32x128xi32>
    %reduce_sum3A_53 = arith.constant dense<0> : vector<1xi32>
    %reduce_sum3A_54 = vector.multi_reduction <add>, %reduce_sum3A_52, %reduce_sum3A_53 [1, 2] : vector<1x32x128xi32> to vector<1xi32>
    %reduce_sum3A_55 = vector.shape_cast %reduce_sum3A_54 : vector<1xi32> to vector<1x1x1xi32>
    %reduce_sum3A_56 = vector.extract %reduce_sum3A_55[0, 0, 0] : i32 from vector<1x1x1xi32>
    %swap3A_57 = arith.constant 0 : index
    %swap3A_58 = arith.constant 1 : index
    %swap3A_59 = memref.load %arg3[%swap3A_57, %swap3A_58] : memref<1x16xi32, #tpu.memory_space<smem>>
    memref.store %reduce_sum3A_56, %arg3[%swap3A_57, %swap3A_58] : memref<1x16xi32, #tpu.memory_space<smem>>
    %slice3A_60 = vector.extract_strided_slice %select_n3A_43 {offsets = [64, 0], sizes = [32, 128], strides = [1, 1]} : vector<512x128xi32> to vector<32x128xi32>
    %reduce_sum3A_61 = vector.shape_cast %slice3A_60 : vector<32x128xi32> to vector<1x32x128xi32>
    %reduce_sum3A_62 = arith.constant dense<0> : vector<1xi32>
    %reduce_sum3A_63 = vector.multi_reduction <add>, %reduce_sum3A_61, %reduce_sum3A_62 [1, 2] : vector<1x32x128xi32> to vector<1xi32>
    %reduce_sum3A_64 = vector.shape_cast %reduce_sum3A_63 : vector<1xi32> to vector<1x1x1xi32>
    %reduce_sum3A_65 = vector.extract %reduce_sum3A_64[0, 0, 0] : i32 from vector<1x1x1xi32>
    %swap3A_66 = arith.constant 0 : index
    %swap3A_67 = arith.constant 2 : index
    %swap3A_68 = memref.load %arg3[%swap3A_66, %swap3A_67] : memref<1x16xi32, #tpu.memory_space<smem>>
    memref.store %reduce_sum3A_65, %arg3[%swap3A_66, %swap3A_67] : memref<1x16xi32, #tpu.memory_space<smem>>
    %slice3A_69 = vector.extract_strided_slice %select_n3A_43 {offsets = [96, 0], sizes = [32, 128], strides = [1, 1]} : vector<512x128xi32> to vector<32x128xi32>
    %reduce_sum3A_70 = vector.shape_cast %slice3A_69 : vector<32x128xi32> to vector<1x32x128xi32>
    %reduce_sum3A_71 = arith.constant dense<0> : vector<1xi32>
    %reduce_sum3A_72 = vector.multi_reduction <add>, %reduce_sum3A_70, %reduce_sum3A_71 [1, 2] : vector<1x32x128xi32> to vector<1xi32>
    %reduce_sum3A_73 = vector.shape_cast %reduce_sum3A_72 : vector<1xi32> to vector<1x1x1xi32>
    %reduce_sum3A_74 = vector.extract %reduce_sum3A_73[0, 0, 0] : i32 from vector<1x1x1xi32>
    %swap3A_75 = arith.constant 0 : index
    %swap3A_76 = arith.constant 3 : index
    %swap3A_77 = memref.load %arg3[%swap3A_75, %swap3A_76] : memref<1x16xi32, #tpu.memory_space<smem>>
    memref.store %reduce_sum3A_74, %arg3[%swap3A_75, %swap3A_76] : memref<1x16xi32, #tpu.memory_space<smem>>
    %slice3A_78 = vector.extract_strided_slice %select_n3A_43 {offsets = [128, 0], sizes = [32, 128], strides = [1, 1]} : vector<512x128xi32> to vector<32x128xi32>
    %reduce_sum3A_79 = vector.shape_cast %slice3A_78 : vector<32x128xi32> to vector<1x32x128xi32>
    %reduce_sum3A_80 = arith.constant dense<0> : vector<1xi32>
    %reduce_sum3A_81 = vector.multi_reduction <add>, %reduce_sum3A_79, %reduce_sum3A_80 [1, 2] : vector<1x32x128xi32> to vector<1xi32>
    %reduce_sum3A_82 = vector.shape_cast %reduce_sum3A_81 : vector<1xi32> to vector<1x1x1xi32>
    %reduce_sum3A_83 = vector.extract %reduce_sum3A_82[0, 0, 0] : i32 from vector<1x1x1xi32>
    %swap3A_84 = arith.constant 0 : index
    %swap3A_85 = arith.constant 4 : index
    %swap3A_86 = memref.load %arg3[%swap3A_84, %swap3A_85] : memref<1x16xi32, #tpu.memory_space<smem>>
    memref.store %reduce_sum3A_83, %arg3[%swap3A_84, %swap3A_85] : memref<1x16xi32, #tpu.memory_space<smem>>
    %slice3A_87 = vector.extract_strided_slice %select_n3A_43 {offsets = [160, 0], sizes = [32, 128], strides = [1, 1]} : vector<512x128xi32> to vector<32x128xi32>
    %reduce_sum3A_88 = vector.shape_cast %slice3A_87 : vector<32x128xi32> to vector<1x32x128xi32>
    %reduce_sum3A_89 = arith.constant dense<0> : vector<1xi32>
    %reduce_sum3A_90 = vector.multi_reduction <add>, %reduce_sum3A_88, %reduce_sum3A_89 [1, 2] : vector<1x32x128xi32> to vector<1xi32>
    %reduce_sum3A_91 = vector.shape_cast %reduce_sum3A_90 : vector<1xi32> to vector<1x1x1xi32>
    %reduce_sum3A_92 = vector.extract %reduce_sum3A_91[0, 0, 0] : i32 from vector<1x1x1xi32>
    %swap3A_93 = arith.constant 0 : index
    %swap3A_94 = arith.constant 5 : index
    %swap3A_95 = memref.load %arg3[%swap3A_93, %swap3A_94] : memref<1x16xi32, #tpu.memory_space<smem>>
    memref.store %reduce_sum3A_92, %arg3[%swap3A_93, %swap3A_94] : memref<1x16xi32, #tpu.memory_space<smem>>
    %slice3A_96 = vector.extract_strided_slice %select_n3A_43 {offsets = [192, 0], sizes = [32, 128], strides = [1, 1]} : vector<512x128xi32> to vector<32x128xi32>
    %reduce_sum3A_97 = vector.shape_cast %slice3A_96 : vector<32x128xi32> to vector<1x32x128xi32>
    %reduce_sum3A_98 = arith.constant dense<0> : vector<1xi32>
    %reduce_sum3A_99 = vector.multi_reduction <add>, %reduce_sum3A_97, %reduce_sum3A_98 [1, 2] : vector<1x32x128xi32> to vector<1xi32>
    %reduce_sum3A_100 = vector.shape_cast %reduce_sum3A_99 : vector<1xi32> to vector<1x1x1xi32>
    %reduce_sum3A_101 = vector.extract %reduce_sum3A_100[0, 0, 0] : i32 from vector<1x1x1xi32>
    %swap3A_102 = arith.constant 0 : index
    %swap3A_103 = arith.constant 6 : index
    %swap3A_104 = memref.load %arg3[%swap3A_102, %swap3A_103] : memref<1x16xi32, #tpu.memory_space<smem>>
    memref.store %reduce_sum3A_101, %arg3[%swap3A_102, %swap3A_103] : memref<1x16xi32, #tpu.memory_space<smem>>
    %slice3A_105 = vector.extract_strided_slice %select_n3A_43 {offsets = [224, 0], sizes = [32, 128], strides = [1, 1]} : vector<512x128xi32> to vector<32x128xi32>
    %reduce_sum3A_106 = vector.shape_cast %slice3A_105 : vector<32x128xi32> to vector<1x32x128xi32>
    %reduce_sum3A_107 = arith.constant dense<0> : vector<1xi32>
    %reduce_sum3A_108 = vector.multi_reduction <add>, %reduce_sum3A_106, %reduce_sum3A_107 [1, 2] : vector<1x32x128xi32> to vector<1xi32>
    %reduce_sum3A_109 = vector.shape_cast %reduce_sum3A_108 : vector<1xi32> to vector<1x1x1xi32>
    %reduce_sum3A_110 = vector.extract %reduce_sum3A_109[0, 0, 0] : i32 from vector<1x1x1xi32>
    %swap3A_111 = arith.constant 0 : index
    %swap3A_112 = arith.constant 7 : index
    %swap3A_113 = memref.load %arg3[%swap3A_111, %swap3A_112] : memref<1x16xi32, #tpu.memory_space<smem>>
    memref.store %reduce_sum3A_110, %arg3[%swap3A_111, %swap3A_112] : memref<1x16xi32, #tpu.memory_space<smem>>
    %slice3A_114 = vector.extract_strided_slice %select_n3A_43 {offsets = [256, 0], sizes = [32, 128], strides = [1, 1]} : vector<512x128xi32> to vector<32x128xi32>
    %reduce_sum3A_115 = vector.shape_cast %slice3A_114 : vector<32x128xi32> to vector<1x32x128xi32>
    %reduce_sum3A_116 = arith.constant dense<0> : vector<1xi32>
    %reduce_sum3A_117 = vector.multi_reduction <add>, %reduce_sum3A_115, %reduce_sum3A_116 [1, 2] : vector<1x32x128xi32> to vector<1xi32>
    %reduce_sum3A_118 = vector.shape_cast %reduce_sum3A_117 : vector<1xi32> to vector<1x1x1xi32>
    %reduce_sum3A_119 = vector.extract %reduce_sum3A_118[0, 0, 0] : i32 from vector<1x1x1xi32>
    %swap3A_120 = arith.constant 0 : index
    %swap3A_121 = arith.constant 8 : index
    %swap3A_122 = memref.load %arg3[%swap3A_120, %swap3A_121] : memref<1x16xi32, #tpu.memory_space<smem>>
    memref.store %reduce_sum3A_119, %arg3[%swap3A_120, %swap3A_121] : memref<1x16xi32, #tpu.memory_space<smem>>
    %slice3A_123 = vector.extract_strided_slice %select_n3A_43 {offsets = [288, 0], sizes = [32, 128], strides = [1, 1]} : vector<512x128xi32> to vector<32x128xi32>
    %reduce_sum3A_124 = vector.shape_cast %slice3A_123 : vector<32x128xi32> to vector<1x32x128xi32>
    %reduce_sum3A_125 = arith.constant dense<0> : vector<1xi32>
    %reduce_sum3A_126 = vector.multi_reduction <add>, %reduce_sum3A_124, %reduce_sum3A_125 [1, 2] : vector<1x32x128xi32> to vector<1xi32>
    %reduce_sum3A_127 = vector.shape_cast %reduce_sum3A_126 : vector<1xi32> to vector<1x1x1xi32>
    %reduce_sum3A_128 = vector.extract %reduce_sum3A_127[0, 0, 0] : i32 from vector<1x1x1xi32>
    %swap3A_129 = arith.constant 0 : index
    %swap3A_130 = arith.constant 9 : index
    %swap3A_131 = memref.load %arg3[%swap3A_129, %swap3A_130] : memref<1x16xi32, #tpu.memory_space<smem>>
    memref.store %reduce_sum3A_128, %arg3[%swap3A_129, %swap3A_130] : memref<1x16xi32, #tpu.memory_space<smem>>
    %slice3A_132 = vector.extract_strided_slice %select_n3A_43 {offsets = [320, 0], sizes = [32, 128], strides = [1, 1]} : vector<512x128xi32> to vector<32x128xi32>
    %reduce_sum3A_133 = vector.shape_cast %slice3A_132 : vector<32x128xi32> to vector<1x32x128xi32>
    %reduce_sum3A_134 = arith.constant dense<0> : vector<1xi32>
    %reduce_sum3A_135 = vector.multi_reduction <add>, %reduce_sum3A_133, %reduce_sum3A_134 [1, 2] : vector<1x32x128xi32> to vector<1xi32>
    %reduce_sum3A_136 = vector.shape_cast %reduce_sum3A_135 : vector<1xi32> to vector<1x1x1xi32>
    %reduce_sum3A_137 = vector.extract %reduce_sum3A_136[0, 0, 0] : i32 from vector<1x1x1xi32>
    %swap3A_138 = arith.constant 0 : index
    %swap3A_139 = arith.constant 10 : index
    %swap3A_140 = memref.load %arg3[%swap3A_138, %swap3A_139] : memref<1x16xi32, #tpu.memory_space<smem>>
    memref.store %reduce_sum3A_137, %arg3[%swap3A_138, %swap3A_139] : memref<1x16xi32, #tpu.memory_space<smem>>
    %slice3A_141 = vector.extract_strided_slice %select_n3A_43 {offsets = [352, 0], sizes = [32, 128], strides = [1, 1]} : vector<512x128xi32> to vector<32x128xi32>
    %reduce_sum3A_142 = vector.shape_cast %slice3A_141 : vector<32x128xi32> to vector<1x32x128xi32>
    %reduce_sum3A_143 = arith.constant dense<0> : vector<1xi32>
    %reduce_sum3A_144 = vector.multi_reduction <add>, %reduce_sum3A_142, %reduce_sum3A_143 [1, 2] : vector<1x32x128xi32> to vector<1xi32>
    %reduce_sum3A_145 = vector.shape_cast %reduce_sum3A_144 : vector<1xi32> to vector<1x1x1xi32>
    %reduce_sum3A_146 = vector.extract %reduce_sum3A_145[0, 0, 0] : i32 from vector<1x1x1xi32>
    %swap3A_147 = arith.constant 0 : index
    %swap3A_148 = arith.constant 11 : index
    %swap3A_149 = memref.load %arg3[%swap3A_147, %swap3A_148] : memref<1x16xi32, #tpu.memory_space<smem>>
    memref.store %reduce_sum3A_146, %arg3[%swap3A_147, %swap3A_148] : memref<1x16xi32, #tpu.memory_space<smem>>
    %slice3A_150 = vector.extract_strided_slice %select_n3A_43 {offsets = [384, 0], sizes = [32, 128], strides = [1, 1]} : vector<512x128xi32> to vector<32x128xi32>
    %reduce_sum3A_151 = vector.shape_cast %slice3A_150 : vector<32x128xi32> to vector<1x32x128xi32>
    %reduce_sum3A_152 = arith.constant dense<0> : vector<1xi32>
    %reduce_sum3A_153 = vector.multi_reduction <add>, %reduce_sum3A_151, %reduce_sum3A_152 [1, 2] : vector<1x32x128xi32> to vector<1xi32>
    %reduce_sum3A_154 = vector.shape_cast %reduce_sum3A_153 : vector<1xi32> to vector<1x1x1xi32>
    %reduce_sum3A_155 = vector.extract %reduce_sum3A_154[0, 0, 0] : i32 from vector<1x1x1xi32>
    %swap3A_156 = arith.constant 0 : index
    %swap3A_157 = arith.constant 12 : index
    %swap3A_158 = memref.load %arg3[%swap3A_156, %swap3A_157] : memref<1x16xi32, #tpu.memory_space<smem>>
    memref.store %reduce_sum3A_155, %arg3[%swap3A_156, %swap3A_157] : memref<1x16xi32, #tpu.memory_space<smem>>
    %slice3A_159 = vector.extract_strided_slice %select_n3A_43 {offsets = [416, 0], sizes = [32, 128], strides = [1, 1]} : vector<512x128xi32> to vector<32x128xi32>
    %reduce_sum3A_160 = vector.shape_cast %slice3A_159 : vector<32x128xi32> to vector<1x32x128xi32>
    %reduce_sum3A_161 = arith.constant dense<0> : vector<1xi32>
    %reduce_sum3A_162 = vector.multi_reduction <add>, %reduce_sum3A_160, %reduce_sum3A_161 [1, 2] : vector<1x32x128xi32> to vector<1xi32>
    %reduce_sum3A_163 = vector.shape_cast %reduce_sum3A_162 : vector<1xi32> to vector<1x1x1xi32>
    %reduce_sum3A_164 = vector.extract %reduce_sum3A_163[0, 0, 0] : i32 from vector<1x1x1xi32>
    %swap3A_165 = arith.constant 0 : index
    %swap3A_166 = arith.constant 13 : index
    %swap3A_167 = memref.load %arg3[%swap3A_165, %swap3A_166] : memref<1x16xi32, #tpu.memory_space<smem>>
    memref.store %reduce_sum3A_164, %arg3[%swap3A_165, %swap3A_166] : memref<1x16xi32, #tpu.memory_space<smem>>
    %slice3A_168 = vector.extract_strided_slice %select_n3A_43 {offsets = [448, 0], sizes = [32, 128], strides = [1, 1]} : vector<512x128xi32> to vector<32x128xi32>
    %reduce_sum3A_169 = vector.shape_cast %slice3A_168 : vector<32x128xi32> to vector<1x32x128xi32>
    %reduce_sum3A_170 = arith.constant dense<0> : vector<1xi32>
    %reduce_sum3A_171 = vector.multi_reduction <add>, %reduce_sum3A_169, %reduce_sum3A_170 [1, 2] : vector<1x32x128xi32> to vector<1xi32>
    %reduce_sum3A_172 = vector.shape_cast %reduce_sum3A_171 : vector<1xi32> to vector<1x1x1xi32>
    %reduce_sum3A_173 = vector.extract %reduce_sum3A_172[0, 0, 0] : i32 from vector<1x1x1xi32>
    %swap3A_174 = arith.constant 0 : index
    %swap3A_175 = arith.constant 14 : index
    %swap3A_176 = memref.load %arg3[%swap3A_174, %swap3A_175] : memref<1x16xi32, #tpu.memory_space<smem>>
    memref.store %reduce_sum3A_173, %arg3[%swap3A_174, %swap3A_175] : memref<1x16xi32, #tpu.memory_space<smem>>
    %slice3A_177 = vector.extract_strided_slice %select_n3A_43 {offsets = [480, 0], sizes = [32, 128], strides = [1, 1]} : vector<512x128xi32> to vector<32x128xi32>
    %reduce_sum3A_178 = vector.shape_cast %slice3A_177 : vector<32x128xi32> to vector<1x32x128xi32>
    %reduce_sum3A_179 = arith.constant dense<0> : vector<1xi32>
    %reduce_sum3A_180 = vector.multi_reduction <add>, %reduce_sum3A_178, %reduce_sum3A_179 [1, 2] : vector<1x32x128xi32> to vector<1xi32>
    %reduce_sum3A_181 = vector.shape_cast %reduce_sum3A_180 : vector<1xi32> to vector<1x1x1xi32>
    %reduce_sum3A_182 = vector.extract %reduce_sum3A_181[0, 0, 0] : i32 from vector<1x1x1xi32>
    %swap3A_183 = arith.constant 0 : index
    %swap3A_184 = arith.constant 15 : index
    %swap3A_185 = memref.load %arg3[%swap3A_183, %swap3A_184] : memref<1x16xi32, #tpu.memory_space<smem>>
    memref.store %reduce_sum3A_182, %arg3[%swap3A_183, %swap3A_184] : memref<1x16xi32, #tpu.memory_space<smem>>
    return
  }
}

module attributes {stable_mosaic.version = 14 : i64} {
  func.func @_tc2_body(%arg0: memref<512x128xf32, #tpu.memory_space<vmem>>, %arg1: memref<512x128xi32, #tpu.memory_space<vmem>>, %arg2: memref<960xf32, #tpu.memory_space<smem>>, %arg3: memref<1x1xf32, #tpu.memory_space<smem>>) attributes {dimension_semantics = [], scalar_prefetch = 0 : i64, scratch_operands = 0 : i64, tpu.core_type = #tpu.core_type<tc>} {
    %get3A = arith.constant 0 : index
    %get3A_0 = arith.constant 0 : index
    %get3A_1 = vector.load %arg1[%get3A, %get3A_0] : memref<512x128xi32, #tpu.memory_space<vmem>>, vector<512x128xi32>
    %gt3A = arith.constant 0 : i32
    %gt3A_2 = vector.broadcast %gt3A : i32 to vector<512x128xi32>
    %gt3A_3 = arith.cmpi sgt, %get3A_1, %gt3A_2 : vector<512x128xi32>
    %convert_element_type3A = arith.extui %gt3A_3 : vector<512x128xi1> to vector<512x128xi32>
    %convert_element_type3A_4 = arith.sitofp %convert_element_type3A : vector<512x128xi32> to vector<512x128xf32>
    %reduce_sum3A = vector.shape_cast %convert_element_type3A_4 : vector<512x128xf32> to vector<1x512x128xf32>
    %reduce_sum3A_5 = arith.constant dense<0.000000e+00> : vector<1xf32>
    %reduce_sum3A_6 = vector.multi_reduction <add>, %reduce_sum3A, %reduce_sum3A_5 [1, 2] : vector<1x512x128xf32> to vector<1xf32>
    %reduce_sum3A_7 = vector.shape_cast %reduce_sum3A_6 : vector<1xf32> to vector<1x1x1xf32>
    %reduce_sum3A_8 = vector.extract %reduce_sum3A_7[0, 0, 0] : f32 from vector<1x1x1xf32>
    %get3A_9 = arith.constant 0 : index
    %get3A_10 = arith.constant 0 : index
    %get3A_11 = vector.load %arg0[%get3A_9, %get3A_10] : memref<512x128xf32, #tpu.memory_space<vmem>>, vector<512x128xf32>
    %jit3A = arith.constant 0x7F800000 : f32
    %broadcast_in_dim3A = vector.broadcast %jit3A : f32 to vector<512x128xf32>
    %select_n3A = arith.select %gt3A_3, %get3A_11, %broadcast_in_dim3A : vector<512x128xi1>, vector<512x128xf32>
    %sub3A = arith.constant 1.000000e+00 : f32
    %sub3A_12 = vector.broadcast %sub3A : f32 to vector<512x128xf32>
    %sub3A_13 = arith.subf %select_n3A, %sub3A_12 : vector<512x128xf32>
    %broadcast_in_dim3A_14 = arith.constant 0.000000e+00 : f32
    %broadcast_in_dim3A_15 = vector.broadcast %broadcast_in_dim3A_14 : f32 to vector<8x128xf32>
    %scan3A = arith.constant 0 : i32
    %scan3A_16 = arith.constant 40 : i32
    %scan3A_17 = arith.addi %scan3A, %scan3A_16 : i32
    %scan3A_18 = arith.constant 1 : i32
    %scan3A_19:2 = scf.for %scan3A_39 = %scan3A to %scan3A_17 step %scan3A_18 iter_args(%scan3A_40 = %broadcast_in_dim3A_15, %scan3A_41 = %broadcast_in_dim3A_15) -> (vector<8x128xf32>, vector<8x128xf32>)  : i32 {
      %broadcast_in_dim3A_42 = arith.constant 1.000000e+00 : f32
      %broadcast_in_dim3A_43 = vector.broadcast %broadcast_in_dim3A_42 : f32 to vector<512x128xf32>
      %mul3A_44 = arith.constant 24 : i32
      %mul3A_45 = arith.muli %scan3A_39, %mul3A_44 : i32
      %mul3A_46 = arith.constant 24 : i32
      %mul3A_47 = arith.muli %scan3A_39, %mul3A_46 : i32
      %add3A_48 = arith.constant 24 : i32
      %add3A_49 = arith.addi %mul3A_47, %add3A_48 : i32
      %while3A = arith.subi %add3A_49, %mul3A_45 : i32
      %while3A_50 = arith.addi %mul3A_45, %while3A : i32
      %while3A_51 = arith.constant 1 : i32
      %while3A_52 = arith.divsi %while3A, %while3A_51 : i32
      %while3A_53 = arith.muli %while3A_52, %while3A_51 : i32
      %while3A_54 = arith.addi %mul3A_45, %while3A_53 : i32
      %while3A_55 = arith.constant 1 : i32
      %while3A_56:3 = scf.for %while3A_62 = %mul3A_45 to %while3A_54 step %while3A_55 iter_args(%while3A_63 = %scan3A_40, %while3A_64 = %scan3A_41, %while3A_65 = %broadcast_in_dim3A_43) -> (vector<8x128xf32>, vector<8x128xf32>, vector<512x128xf32>)  : i32 {
        %get3A_66 = arith.index_cast %while3A_62 : i32 to index
        %get3A_67 = memref.load %arg2[%get3A_66] : memref<960xf32, #tpu.memory_space<smem>>
        %sub3A_68 = vector.broadcast %get3A_67 : f32 to vector<512x128xf32>
        %sub3A_69 = arith.subf %sub3A_68, %sub3A_13 : vector<512x128xf32>
        %abs3A = math.absf %sub3A_69 : vector<512x128xf32>
        %neg3A = arith.constant 0.000000e+00 : f32
        %neg3A_70 = vector.broadcast %neg3A : f32 to vector<512x128xf32>
        %neg3A_71 = arith.subf %neg3A_70, %abs3A : vector<512x128xf32>
        %exp3A_72 = math.exp %neg3A_71 : vector<512x128xf32>
        %add3A_73 = arith.constant 1.000000e+00 : f32
        %add3A_74 = vector.broadcast %add3A_73 : f32 to vector<512x128xf32>
        %add3A_75 = arith.addf %add3A_74, %exp3A_72 : vector<512x128xf32>
        %mul3A_76 = arith.mulf %while3A_65, %add3A_75 : vector<512x128xf32>
        %max3A = arith.constant 0.000000e+00 : f32
        %max3A_77 = vector.broadcast %max3A : f32 to vector<512x128xf32>
        %max3A_78 = arith.maximumf %sub3A_69, %max3A_77 : vector<512x128xf32>
        %eq3A = arith.constant 1.000000e+00 : f32
        %eq3A_79 = vector.broadcast %eq3A : f32 to vector<512x128xf32>
        %eq3A_80 = arith.cmpf oeq, %sub3A_69, %eq3A_79 : vector<512x128xf32>
        %jit3A_81 = arith.constant 1.000000e+00 : f32
        %jit3A_82 = arith.constant 0.000000e+00 : f32
        %broadcast_in_dim3A_83 = vector.broadcast %jit3A_81 : f32 to vector<512x128xf32>
        %broadcast_in_dim3A_84 = vector.broadcast %jit3A_82 : f32 to vector<512x128xf32>
        %select_n3A_85 = arith.select %eq3A_80, %broadcast_in_dim3A_83, %broadcast_in_dim3A_84 : vector<512x128xi1>, vector<512x128xf32>
        %reshape3A_86 = vector.shape_cast %max3A_78 : vector<512x128xf32> to vector<64x8x128xf32>
        %reduce_sum3A_87 = arith.constant dense<0.000000e+00> : vector<8x128xf32>
        %reduce_sum3A_88 = vector.multi_reduction <add>, %reshape3A_86, %reduce_sum3A_87 [0] : vector<64x8x128xf32> to vector<8x128xf32>
        %add3A_89 = arith.addf %while3A_63, %reduce_sum3A_88 : vector<8x128xf32>
        %reshape3A_90 = vector.shape_cast %select_n3A_85 : vector<512x128xf32> to vector<64x8x128xf32>
        %reduce_sum3A_91 = arith.constant dense<0.000000e+00> : vector<8x128xf32>
        %reduce_sum3A_92 = vector.multi_reduction <add>, %reshape3A_90, %reduce_sum3A_91 [0] : vector<64x8x128xf32> to vector<8x128xf32>
        %add3A_93 = arith.addf %while3A_64, %reduce_sum3A_92 : vector<8x128xf32>
        scf.yield %add3A_89, %add3A_93, %mul3A_76 : vector<8x128xf32>, vector<8x128xf32>, vector<512x128xf32>
      }
      %while3A_57 = arith.constant 1 : i32
      %while3A_58:3 = scf.for %while3A_62 = %while3A_54 to %while3A_50 step %while3A_57 iter_args(%while3A_63 = %while3A_56#0, %while3A_64 = %while3A_56#1, %while3A_65 = %while3A_56#2) -> (vector<8x128xf32>, vector<8x128xf32>, vector<512x128xf32>)  : i32 {
        %get3A_66 = arith.index_cast %while3A_62 : i32 to index
        %get3A_67 = memref.load %arg2[%get3A_66] : memref<960xf32, #tpu.memory_space<smem>>
        %sub3A_68 = vector.broadcast %get3A_67 : f32 to vector<512x128xf32>
        %sub3A_69 = arith.subf %sub3A_68, %sub3A_13 : vector<512x128xf32>
        %abs3A = math.absf %sub3A_69 : vector<512x128xf32>
        %neg3A = arith.constant 0.000000e+00 : f32
        %neg3A_70 = vector.broadcast %neg3A : f32 to vector<512x128xf32>
        %neg3A_71 = arith.subf %neg3A_70, %abs3A : vector<512x128xf32>
        %exp3A_72 = math.exp %neg3A_71 : vector<512x128xf32>
        %add3A_73 = arith.constant 1.000000e+00 : f32
        %add3A_74 = vector.broadcast %add3A_73 : f32 to vector<512x128xf32>
        %add3A_75 = arith.addf %add3A_74, %exp3A_72 : vector<512x128xf32>
        %mul3A_76 = arith.mulf %while3A_65, %add3A_75 : vector<512x128xf32>
        %max3A = arith.constant 0.000000e+00 : f32
        %max3A_77 = vector.broadcast %max3A : f32 to vector<512x128xf32>
        %max3A_78 = arith.maximumf %sub3A_69, %max3A_77 : vector<512x128xf32>
        %eq3A = arith.constant 1.000000e+00 : f32
        %eq3A_79 = vector.broadcast %eq3A : f32 to vector<512x128xf32>
        %eq3A_80 = arith.cmpf oeq, %sub3A_69, %eq3A_79 : vector<512x128xf32>
        %jit3A_81 = arith.constant 1.000000e+00 : f32
        %jit3A_82 = arith.constant 0.000000e+00 : f32
        %broadcast_in_dim3A_83 = vector.broadcast %jit3A_81 : f32 to vector<512x128xf32>
        %broadcast_in_dim3A_84 = vector.broadcast %jit3A_82 : f32 to vector<512x128xf32>
        %select_n3A_85 = arith.select %eq3A_80, %broadcast_in_dim3A_83, %broadcast_in_dim3A_84 : vector<512x128xi1>, vector<512x128xf32>
        %reshape3A_86 = vector.shape_cast %max3A_78 : vector<512x128xf32> to vector<64x8x128xf32>
        %reduce_sum3A_87 = arith.constant dense<0.000000e+00> : vector<8x128xf32>
        %reduce_sum3A_88 = vector.multi_reduction <add>, %reshape3A_86, %reduce_sum3A_87 [0] : vector<64x8x128xf32> to vector<8x128xf32>
        %add3A_89 = arith.addf %while3A_63, %reduce_sum3A_88 : vector<8x128xf32>
        %reshape3A_90 = vector.shape_cast %select_n3A_85 : vector<512x128xf32> to vector<64x8x128xf32>
        %reduce_sum3A_91 = arith.constant dense<0.000000e+00> : vector<8x128xf32>
        %reduce_sum3A_92 = vector.multi_reduction <add>, %reshape3A_90, %reduce_sum3A_91 [0] : vector<64x8x128xf32> to vector<8x128xf32>
        %add3A_93 = arith.addf %while3A_64, %reduce_sum3A_92 : vector<8x128xf32>
        scf.yield %add3A_89, %add3A_93, %mul3A_76 : vector<8x128xf32>, vector<8x128xf32>, vector<512x128xf32>
      }
      %log3A = math.log %while3A_58#2 : vector<512x128xf32>
      %reshape3A = vector.shape_cast %log3A : vector<512x128xf32> to vector<64x8x128xf32>
      %reduce_sum3A_59 = arith.constant dense<0.000000e+00> : vector<8x128xf32>
      %reduce_sum3A_60 = vector.multi_reduction <add>, %reshape3A, %reduce_sum3A_59 [0] : vector<64x8x128xf32> to vector<8x128xf32>
      %add3A_61 = arith.addf %while3A_58#0, %reduce_sum3A_60 : vector<8x128xf32>
      scf.yield %add3A_61, %while3A_58#1 : vector<8x128xf32>, vector<8x128xf32>
    }
    %scan3A_20 = arith.constant 40 : i32
    %reduce_sum3A_21 = vector.shape_cast %scan3A_19#0 : vector<8x128xf32> to vector<1x8x128xf32>
    %reduce_sum3A_22 = arith.constant dense<0.000000e+00> : vector<1xf32>
    %reduce_sum3A_23 = vector.multi_reduction <add>, %reduce_sum3A_21, %reduce_sum3A_22 [1, 2] : vector<1x8x128xf32> to vector<1xf32>
    %reduce_sum3A_24 = vector.shape_cast %reduce_sum3A_23 : vector<1xf32> to vector<1x1x1xf32>
    %reduce_sum3A_25 = vector.extract %reduce_sum3A_24[0, 0, 0] : f32 from vector<1x1x1xf32>
    %reduce_sum3A_26 = vector.shape_cast %scan3A_19#1 : vector<8x128xf32> to vector<1x8x128xf32>
    %reduce_sum3A_27 = arith.constant dense<0.000000e+00> : vector<1xf32>
    %reduce_sum3A_28 = vector.multi_reduction <add>, %reduce_sum3A_26, %reduce_sum3A_27 [1, 2] : vector<1x8x128xf32> to vector<1xf32>
    %reduce_sum3A_29 = vector.shape_cast %reduce_sum3A_28 : vector<1xf32> to vector<1x1x1xf32>
    %reduce_sum3A_30 = vector.extract %reduce_sum3A_29[0, 0, 0] : f32 from vector<1x1x1xf32>
    %exp3A = arith.constant -1.000000e+00 : f32
    %exp3A_31 = math.exp %exp3A : f32
    %log1p3A = math.log1p %exp3A_31 : f32
    %add3A = arith.constant 1.000000e+00 : f32
    %add3A_32 = arith.addf %log1p3A, %add3A : f32
    %mul3A = arith.constant 9.600000e+02 : f32
    %mul3A_33 = arith.mulf %reduce_sum3A_8, %mul3A : f32
    %sub3A_34 = arith.subf %mul3A_33, %reduce_sum3A_30 : f32
    %mul3A_35 = arith.mulf %add3A_32, %reduce_sum3A_30 : f32
    %sub3A_36 = arith.subf %reduce_sum3A_25, %mul3A_35 : f32
    %div3A = arith.divf %sub3A_36, %sub3A_34 : f32
    %swap3A = arith.constant 0 : index
    %swap3A_37 = arith.constant 0 : index
    %swap3A_38 = memref.load %arg3[%swap3A, %swap3A_37] : memref<1x1xf32, #tpu.memory_space<smem>>
    memref.store %div3A, %arg3[%swap3A, %swap3A_37] : memref<1x1xf32, #tpu.memory_space<smem>>
    return
  }
}

</mosaic_0001>

<sc_bundles>
// kernel: kernel.5.cloned.1.call-start
scs
__scs_entry_jumppad:
0x0: {  	(pc) =	sbr.rel $0x88, $3  }
0x1: {  	(tag) =	ssettag $0x0;
	lr =	simm.s32 $0x1  }
0x2: {  	[smem:$0x3F9F] =	sst lr;
	_ =	strace $0xD0000000  }
0x3: {  	_ = 	snop  }
0x4: {  	_ = 	snop  }
0x5: {  	_ = 	snop  }
0x6: {  	_ = 	snop  }
0x7: {  	_ = 	snop  }
__scs_overlays_trampoline_lowered:
0x8: {  	[smem:$0x3FAE] =	sst s0  }
0x9: {  	[smem:$0x3FAF] =	sst s1  }
0xa: {  	[smem:$0x3FB0] =	sst s2  }
0xb: {  	[smem:$0x3FB1] =	sst s3  }
0xc: {  	[smem:$0x3FB2] =	sst s4  }
0xd: {  	[smem:$0x3FB3] =	sst s5  }
0xe: {  	[smem:$0x3FB4] =	sst s6  }
0xf: {  	[smem:$0x3FB5] =	sst s7  }
0x10: {  	[smem:$0x3FB6] =	sst s8  }
0x11: {  	[smem:$0x3FB7] =	sst s9;
	s0 =	simm.s32 @!p0 $0x0  }
0x12: {  	s1 =	sld [smem:$0x3F9D];
	s0 =	simm.s32 @p0 $0x1  }
0x13: {  	[smem:$0x3FB8] =	sst s0;
	s0 =	simm.s32 @!p1 $0x0  }
0x14: {  	s2 =	sld [smem:$0x3F9C];
	s0 =	simm.s32 @p1 $0x1  }
0x15: {  	[smem:$0x3FB9] =	sst s0;
	s0 =	simm.s32 @!p2 $0x0  }
0x16: {  	s3 =	sld [smem:$0x3FDB];
	s0 =	simm.s32 @p2 $0x1  }
0x17: {  	s4 =	simm.s32 $0x1BF5;
	[smem:$0x3FBB] =	sst s0  }
0x18: {  	s0 =	sld [smem:$0x3F9E];
	_ =	swait.ge [sflag:s4], $0x0  }
0x19: {  	s7 =	sld [smem:$0x3F9F]  }
0x1a: {  	s8 =	sadd.s32 $0xFFFFE003, lr  }
0x1b: {  	s9 =	sadd.s32 $0xFFFFFEF7, lr;
	s5 =	simm.s32 $0xFFFFFFFF;
	p2 =	slt.u32 s8, $0xFFFFF086  }
0x1c: {  	p1 =	slt.u32 s9, $0xF7A;
	s5 =	simm.s32 @!p2 $0x0  }
0x1d: {  	s5 =	simm.s32 @p1 $0x1;
	p0 =	seq.s32 s7, s2  }
0x1e: {  	s7 =	smul.u32 @!p0 $0xF7A, s2;
	p2 =	seq.s32 @!p0 s5, $0x0  }
0x1f: {  	s9 =	smul.u32 $0xF7A, s1;
	s8 =	simm.s32 @!p0 $0x1BF5;
	p2 =	por !p2, p0  }
0x20: {  	[sflag:s8] =	ssyncset.s32 @!p0 $0xFFFFF086;
	s6 =	sadd.s32 @!p0 s3, s7;
	s7 =	simm.s32 @!p0 $0x108  }
0x21: {  	s3 =	sadd.s32 s3, s9;
	s6 =	sadd.s32 @!p0 $0x88, s6;
	s7 =	simm.s32 @p2 $0x1082  }
0x22: {  	[simem:s7], [sflag:s8] =	dma.local @!p0 [hbm:s6], $0xF7A  }
0x23: {  	s9 =	sor.u32 $0xD0000000, s2;
	s6 =	simm.s32 $0x108;
	_ =	swait.ge @!p0 [sflag:s8], $0x0  }
0x24: {  	s3 =	sadd.s32 $0x88, s3;
	s6 =	simm.s32 @!p1 $0x1082;
	[sflag:s4] =	ssyncset.s32 $0xFFFFF086  }
0x25: {  	[simem:s6], [sflag:s4] =	dma.local [hbm:s3], $0xF7A  }
0x26: {  	[smem:$0x3F9F] =	sst s1;
	(tag) =	ssettag s2;
	_ =	strace s9  }
0x27: {  	s1 =	sld [smem:$0x3FAF]  }
0x28: {  	s2 =	sld [smem:$0x3FB0]  }
0x29: {  	s4 =	sld [smem:$0x3FB2]  }
0x2a: {  	p0 =	seq.s32 s5, $0x0;
	s5 =	sld [smem:$0x3FB3]  }
0x2b: {  	s6 =	sld [smem:$0x3FB4]  }
0x2c: {  	s7 =	sld [smem:$0x3FB5]  }
0x2d: {  	s3 =	simm.s32 $0x108;
	s8 =	sld [smem:$0x3FB6]  }
0x2e: {  	s3 =	simm.s32 @!p0 $0x1082;
	s9 =	sld [smem:$0x3FB7]  }
0x2f: {  	lr =	sadd.s32 s0, s3;
	s0 =	sld [smem:$0x3FAE]  }
0x30: {  	s3 =	sld [smem:$0x3FB1]  }
0x31: {  	[smem:$0x3FBA] =	sst s10  }
0x32: {  	s10 =	sld [smem:$0x3FB8];
	_ =	sdelay $0x3  }
0x33: {  	p0 =	seq.s32 s10, $0x1;
	s10 =	sld [smem:$0x3FBA];
	_ =	sdelay $0x3  }
0x34: {  	[smem:$0x3FBA] =	sst s10  }
0x35: {  	s10 =	sld [smem:$0x3FB9];
	_ =	sdelay $0x3  }
0x36: {  	p1 =	seq.s32 s10, $0x1;
	s10 =	sld [smem:$0x3FBA];
	_ =	sdelay $0x3  }
0x37: {  	[smem:$0x3FBA] =	sst s10  }
0x38: {  	s10 =	sld [smem:$0x3FBB]  }
0x39: {  	_ = 	snop;
	(pc) =	sbr.ind lr, $3  }
0x3a: {  	_ = 	snop  }
0x3b: {  	_ = 	snop  }
0x3c: {  	p2 =	seq.s32 s10, $0x1;
	s10 =	sld [smem:$0x3FBA]  }
0x3d: {  	_ =	shalt  }
0x3e: {  	_ =	shalt  }
0x3f: {  	_ =	shalt  }
0x40: {  	_ =	shalt  }
0x41: {  	_ =	shalt  }
0x42: {  	_ =	shalt  }
0x43: {  	_ =	shalt  }
0x44: {  	_ =	shalt  }
0x45: {  	_ =	shalt  }
0x46: {  	_ =	shalt  }
0x47: {  	_ =	shalt  }
0x48: {  	_ =	shalt  }
0x49: {  	_ =	shalt  }
0x4a: {  	_ =	shalt  }
0x4b: {  	_ =	shalt  }
0x4c: {  	_ =	shalt  }
0x4d: {  	_ =	shalt  }
0x4e: {  	_ =	shalt  }
0x4f: {  	_ =	shalt  }
0x50: {  	_ =	shalt  }
0x51: {  	_ =	shalt  }
0x52: {  	_ =	shalt  }
0x53: {  	_ =	shalt  }
0x54: {  	_ =	shalt  }
0x55: {  	_ =	shalt  }
0x56: {  	_ =	shalt  }
0x57: {  	_ =	shalt  }
0x58: {  	_ =	shalt  }
0x59: {  	_ =	shalt  }
0x5a: {  	_ =	shalt  }
0x5b: {  	_ =	shalt  }
0x5c: {  	_ =	shalt  }
0x5d: {  	_ =	shalt  }
0x5e: {  	_ =	shalt  }
0x5f: {  	_ =	shalt  }
0x60: {  	_ =	shalt  }
0x61: {  	_ =	shalt  }
0x62: {  	_ =	shalt  }
0x63: {  	_ =	shalt  }
0x64: {  	_ =	shalt  }
0x65: {  	_ =	shalt  }
0x66: {  	_ =	shalt  }
0x67: {  	_ =	shalt  }
0x68: {  	_ =	shalt  }
0x69: {  	_ =	shalt  }
0x6a: {  	_ =	shalt  }
0x6b: {  	_ =	shalt  }
0x6c: {  	_ =	shalt  }
0x6d: {  	_ =	shalt  }
0x6e: {  	_ =	shalt  }
0x6f: {  	_ =	shalt  }
0x70: {  	_ =	shalt  }
0x71: {  	_ =	shalt  }
0x72: {  	_ =	shalt  }
0x73: {  	_ =	shalt  }
0x74: {  	_ =	shalt  }
0x75: {  	_ =	shalt  }
0x76: {  	_ =	shalt  }
0x77: {  	_ =	shalt  }
0x78: {  	_ =	shalt  }
0x79: {  	_ =	shalt  }
0x7a: {  	_ =	shalt  }
0x7b: {  	_ =	shalt  }
0x7c: {  	_ =	shalt  }
0x7d: {  	_ =	shalt  }
0x7e: {  	_ =	shalt  }
0x7f: {  	_ =	shalt  }
0x80: {  	_ =	shalt  }
0x81: {  	_ =	shalt  }
0x82: {  	_ =	shalt  }
0x83: {  	_ =	shalt  }
0x84: {  	_ =	shalt  }
0x85: {  	_ =	shalt  }
0x86: {  	_ =	shalt  }
0x87: {  	_ =	shalt  }
.Lfunc_end0:
.L_simem_size_0:
called_computation_lowered:
.L_overlay_start_0:
0x88: {  	s0 =	sld [smem:$0x3FD9]  }
0x89: {  	s1 =	sld [smem:$0x3FFE];
	_ =	sdelay $0x3  }
0x8a: {  	s0 =	sadd.s32 s1, s0  }
0x8b: {  	[smem:$0x3FC6] =	sst s0  }
0x8c: {  	_ = 	snop  }
0x8d: {  	(tm) =	ssettm $0x1  }
0x8e: {  	s15 =	sld [smem:$0x3FFB];
	_ =	sdelay $0x3  }
0x8f: {  	_ =	strace s15  }
0x90: {  	s0 =	sld [smem:$0x3FFC];
	_ =	sdelay $0x3  }
0x91: {  	_ =	strace s0  }
0x92: {  	s0 =	sld [smem:$0x3FFD];
	_ =	sdelay $0x3  }
0x93: {  	_ =	strace s0  }
0x94: {  	_ =	strace $0x8FFFFFFF  }
0x95: {  	s16 =	sld [smem:$0x3FDB];
	_ =	sdelay $0x1  }
0x96: {  	s17 =	simm.s32 $_scs_section_size  }
0x97: {  	s2 =	simm.s32 $_size__tile_overlayer_lowered;
	s3 =	simm.s32 $_tile_overlayer_lowered  }
0x98: {  	s20 =	simm.s32 $0x1BFF;
	s19 =	sshll.u32 s3, $0x1;
	s0 =	sadd.s32 s17, s16  }
0x99: {  	s4 =	simm.s32 $0x0;
	s18 =	sshll.u32 s2, $0x1;
	s2 =	sadd.s32 s19, s0  }
0x9a: {  	[timem:s4], [sflag:s20] =	dma.local [hbm:s2], s18  }
0x9b: {  	_ =	swait.ge [sflag:s20], s18  }
0x9c: {  	s1 =	ssub.s32 $0x0, s18;
	[sflag:s20] =	ssyncset.done $0x0  }
0x9d: {  	[sflag:s20] =	ssyncadd.s32 s1;
	_ =	sdelay $0x1  }
0x9e: {  	s21 =	simm.s32 $0x1B8B  }
0x9f: {  	_ =	swait.ge [sflag:s21], $0x1  }
0xa0: {  	[sflag:s21] =	ssyncset.done $0x0  }
0xa1: {  	s23 =	simm.s32 $0x1B8E;
	s22 =	sld [smem:$0x3FFE];
	[sflag:s21] =	ssyncadd.s32 $0xFFFFFFFF  }
0xa2: {  	s24 =	simm.s32 $execute0_lowered;
	[smem:$0x3FD2] =	sst s23  }
0xa3: {  	s2 =	sshll.u32 s24, $0x1;
	_ =	strace $0x80000046;
	[dreg:$0x1] =	wrdreg $0xFFFFFFFF  }
0xa4: {  	s25 =	simm.s32 $_size_execute0_lowered;
	s0 =	sadd.s32 s0, s2;
	[dreg:$0x0] =	wrdreg $0x0  }
0xa5: {  	s2 =	sshll.u32 s25, $0x1;
	[dreg:$0x2] =	wrdreg s0  }
0xa6: {  	[dreg:$0x3] =	wrdreg s2  }
0xa7: {  	[dreg:$0x4] =	wrdreg $0xC0  }
0xa8: {  	_ =	task [dreg:s4], $0x5FFFF  }
0xa9: {  	[dreg:$0x1] =	wrdreg $0xFFFFFFFF  }
0xaa: {  	[dreg:$0x0] =	wrdreg $0x60  }
0xab: {  	[dreg:$0x2] =	wrdreg s22  }
0xac: {  	[dreg:$0x3] =	wrdreg $0x9  }
0xad: {  	_ =	task.clear_ibuf [dreg:s4], $0x4FFFF;
	_ =	strace $0x90000046  }
0xae: {  	s26 =	simm.s32 $0x9;
	_ =	strace $0x80000048  }
0xaf: {  	_ =	swait.ge [sflag:s26], $0x1  }
0xb0: {  	[sflag:s26] =	ssyncadd.s32 $0xFFFFFFFF  }
0xb1: {  	_ =	strace $0x90000048  }
0xb2: {  	_ =	sfence  }
0xb3: {  	s28 =	sld [smem:$0x0];
	_ =	sdelay $0x1  }
0xb4: {  	s29 =	srdreg.scid  }
0xb5: {  	s30 =	sshll.u32 s29, $0xD;
	s31 =	sshrl.u32 s29, $0x2  }
0xb6: {  	s1 =	sand.u32 $0x1, s29;
	s2 =	sand.u32 $0x4000, s30;
	s0 =	sadd.s32 s31, s28  }
0xb7: {  	s1 =	sor.u32 s2, s1;
	s0 =	sshll.u32 s0, $0x11  }
0xb8: {  	s0 =	sor.u32 s0, s1  }
0xb9: {  	s0 =	sadd.s32 $0x8F2B, s0  }
0xba: {  	[sflag:s0] =	ssyncadd.remote.s32 $0x1  }
0xbb: {  	_ =	sfence.sel $0xFFFF  }
0xbc: {  	[dreg:$0x0] =	wrdreg $0xFFFFFFFF;
	(pc) =	sbr.abs _section_cstart, $3  }
0xbd: {  	[dreg:$0x1] =	wrdreg $0xFFFFFFFF  }
0xbe: {  	_ =	task.clear_ibuf [dreg:s4], $0x2FFFF;
	_ =	strace $0x9FFFFFFF  }
0xbf: {  	(tm) =	ssettm $0x7FFFFFFF  }
tec
execute0_lowered:
.L_overlay_start_1:
0x0: {  	(tag) =	ssettag $0x1  }
0x1: {  	s3 =	rddreg [dreg:$0x0];
	s1 =	stileid.u32  }
0x2: {  	s0 =	rddreg [dreg:$0x1];
	s2 =	simm.s32 $0x0;
	s4 =	sshll.u32 s1, $0x9  }
0x3: {  	[smem:$0x7FF] =	sst s2;
	s4 =	sadd.s32 s4, s3  }
0x4: {  	s26 =	simm.s32 $0x1;
	_ =	strace $0x80000047;
	s5 =	sadd.s32 $0x2A00, s4  }
0x5: {  	[tilespmem:s2], [sflag:$0x1] =	stream.linear.gather [hbm4b:s5+s2], $0x1000, $0x38;
	[tilespmem:$0x2900] =	vst v63  }
0x6: {  	_ =	swait.ge [sflag:s26], $0x1000  }
0x7: {  	[sflag:s26] =	ssyncset.done $0x0  }
0x8: {  	s6 =	simm.s32 $0x1000;
	s4 =	sadd.s32 $0xA00, s4;
	[sflag:s26] =	ssyncadd.s32 $0xFFFFF000  }
0x9: {  	[tilespmem:s6], [sflag:$0x1] =	stream.linear.gather [hbm4b:s4+s2], $0x1000, $0x38;
	[tilespmem:$0x2900] =	vst v63  }
0xa: {  	s28 =	sshll.u32 s1, $0x4;
	_ =	swait.ge [sflag:s26], $0x1000  }
0xb: {  	s4 =	sadd.s32 s28, s3;
	[sflag:s26] =	ssyncset.done $0x0  }
0xc: {  	s7 =	simm.s32 $0x2000;
	s29 =	sadd.s32 $0x4C00, s4;
	[sflag:s26] =	ssyncadd.s32 $0xFFFFF000  }
0xd: {  	[tilespmem:s7], [sflag:$0x1] =	stream.linear.gather [hbm4b:s29+s2], $0x80, $0x38;
	[tilespmem:$0x2900] =	vst v63  }
0xe: {  	_ =	swait.ge [sflag:s26], $0x80  }
0xf: {  	[sflag:s26] =	ssyncset.done $0x0  }
0x10: {  	s30 =	simm.s32 $0x2080;
	s4 =	sadd.s32 $0x4A00, s4;
	[sflag:s26] =	ssyncadd.s32 $0xFFFFFF80  }
0x11: {  	[tilespmem:s30], [sflag:$0x1] =	stream.linear.gather [hbm4b:s4+s2], $0x80, $0x38;
	[tilespmem:$0x2900] =	vst v63  }
0x12: {  	_ =	swait.ge [sflag:s26], $0x80  }
0x13: {  	[sflag:s26] =	ssyncset.done $0x0  }
0x14: {  	[sflag:s26] =	ssyncadd.s32 $0xFFFFFF80  }
0x15: {  	[bflag:$0x0] =	sbarrier.arrive $0xFFFF  }
0x16: {  	v0 =	vld [tilespmem:$0x2000];
	_ =	sdelay $0x4  }
0x17: {  	[tilespmem:$0x2100] =	vst v0  }
0x18: {  	[tilespmem:$0x2110] =	vst v0  }
0x19: {  	[tilespmem:$0x2120] =	vst v0  }
0x1a: {  	[tilespmem:$0x2130] =	vst v0  }
0x1b: {  	[tilespmem:$0x2140] =	vst v0  }
0x1c: {  	[tilespmem:$0x2150] =	vst v0  }
0x1d: {  	[tilespmem:$0x2160] =	vst v0  }
0x1e: {  	[tilespmem:$0x2170] =	vst v0  }
0x1f: {  	[tilespmem:$0x2180] =	vst v0  }
0x20: {  	[tilespmem:$0x2190] =	vst v0  }
0x21: {  	[tilespmem:$0x21A0] =	vst v0  }
0x22: {  	[tilespmem:$0x21B0] =	vst v0  }
0x23: {  	[tilespmem:$0x21C0] =	vst v0  }
0x24: {  	[tilespmem:$0x21D0] =	vst v0  }
0x25: {  	[tilespmem:$0x21E0] =	vst v0  }
0x26: {  	[tilespmem:$0x21F0] =	vst v0  }
0x27: {  	[tilespmem:$0x2200] =	vst v0  }
0x28: {  	[tilespmem:$0x2210] =	vst v0  }
0x29: {  	[tilespmem:$0x2220] =	vst v0  }
0x2a: {  	[tilespmem:$0x2230] =	vst v0  }
0x2b: {  	[tilespmem:$0x2240] =	vst v0  }
0x2c: {  	[tilespmem:$0x2250] =	vst v0  }
0x2d: {  	[tilespmem:$0x2260] =	vst v0  }
0x2e: {  	[tilespmem:$0x2270] =	vst v0  }
0x2f: {  	[tilespmem:$0x2280] =	vst v0  }
0x30: {  	[tilespmem:$0x2290] =	vst v0  }
0x31: {  	[tilespmem:$0x22A0] =	vst v0  }
0x32: {  	[tilespmem:$0x22B0] =	vst v0  }
0x33: {  	[tilespmem:$0x22C0] =	vst v0  }
0x34: {  	[tilespmem:$0x22D0] =	vst v0  }
0x35: {  	[tilespmem:$0x22E0] =	vst v0  }
0x36: {  	[tilespmem:$0x22F0] =	vst v0  }
0x37: {  	[tilespmem:$0x2300] =	vst v0  }
0x38: {  	[tilespmem:$0x2310] =	vst v0  }
0x39: {  	[tilespmem:$0x2320] =	vst v0  }
0x3a: {  	[tilespmem:$0x2330] =	vst v0  }
0x3b: {  	[tilespmem:$0x2340] =	vst v0  }
0x3c: {  	[tilespmem:$0x2350] =	vst v0  }
0x3d: {  	[tilespmem:$0x2360] =	vst v0  }
0x3e: {  	[tilespmem:$0x2370] =	vst v0  }
0x3f: {  	[tilespmem:$0x2380] =	vst v0  }
0x40: {  	[tilespmem:$0x2390] =	vst v0  }
0x41: {  	[tilespmem:$0x23A0] =	vst v0  }
0x42: {  	[tilespmem:$0x23B0] =	vst v0  }
0x43: {  	[tilespmem:$0x23C0] =	vst v0  }
0x44: {  	[tilespmem:$0x23D0] =	vst v0  }
0x45: {  	[tilespmem:$0x23E0] =	vst v0  }
0x46: {  	[tilespmem:$0x23F0] =	vst v0  }
0x47: {  	[tilespmem:$0x2400] =	vst v0  }
0x48: {  	[tilespmem:$0x2410] =	vst v0  }
0x49: {  	[tilespmem:$0x2420] =	vst v0  }
0x4a: {  	[tilespmem:$0x2430] =	vst v0  }
0x4b: {  	[tilespmem:$0x2440] =	vst v0  }
0x4c: {  	[tilespmem:$0x2450] =	vst v0  }
0x4d: {  	[tilespmem:$0x2460] =	vst v0  }
0x4e: {  	[tilespmem:$0x2470] =	vst v0  }
0x4f: {  	[tilespmem:$0x2480] =	vst v0  }
0x50: {  	[tilespmem:$0x2490] =	vst v0  }
0x51: {  	[tilespmem:$0x24A0] =	vst v0  }
0x52: {  	[tilespmem:$0x24B0] =	vst v0  }
0x53: {  	s31 =	simm.s32 $0x0;
	[tilespmem:$0x24C0] =	vst v0  }
0x54: {  	v1 =	vld [tilespmem:s31+$0x1000]  }
0x55: {  	v2 =	vld [tilespmem:s31+$0x0];
	_ =	sdelay $0x3  }
0x56: {  	vm0 =	vgt.s32 v1, $0x0  }
0x57: {  	vm1 =	vlt.s32 v0, $0x0;
	v1 =	vand.u32 $0x7FFFFFFF, v0;
	v3 =	vsel vm0, $0xFF800000, v2  }
0x58: {  	v0 =	vxor.u32 $0xFFFFFFFF, v0;
	v1 =	vxor.u32 $0x80000000, v1;
	v2 =	vand.u32 $0x7FFFFFFF, v3  }
0x59: {  	vm0 =	vlt.s32 v3, $0x0;
	v4 =	vxor.u32 $0xFFFFFFFF, v3;
	v5 =	vxor.u32 $0x80000000, v2  }
0x5a: {  	v2 =	vsel vm1, v0, v1;
	v0 =	vsel vm0, v4, v5  }
0x5b: {  	vm0 =	vgt.u32 v0, v2  }
0x5c: {  	v0 =	vmpcnt.ones.xlane vm0;
	_ =	sdelay $0x1  }
0x5d: {  	(v2sf) =	vpush v0, $0x0;
	_ =	sdelay $0x1  }
0x5e: {  	s5 =	simm.s32 $0x10;
	s3 =	sadd.s32 $0x4E00, s3;
	s4 =	simm.s32 $0x80;
	v1 =	vld [tilespmem:$0x2080];
	[tilespmem:s2+$0x2100] =	vst.msk vm0, v3  }
.LBB2_1:
0x5f: {  	p0 =	sne.s32 s4, $0x3FC0;
	v0 =	vld [tilespmem:s5+$0x1000]  }
0x60: {  	v3 =	vld [tilespmem:s5+$0x0];
	_ =	sdelay $0x3  }
0x61: {  	vm0 =	vgt.s32 v0, $0x0  }
0x62: {  	v0 =	vsel vm0, $0xFF800000, v3  }
0x63: {  	v3 =	vand.u32 $0x7FFFFFFF, v0  }
0x64: {  	vm0 =	vlt.s32 v0, $0x0;
	v4 =	vxor.u32 $0xFFFFFFFF, v0;
	v3 =	vxor.u32 $0x80000000, v3  }
0x65: {  	v3 =	vsel vm0, v4, v3  }
0x66: {  	vm0 =	vgt.u32 v3, v2  }
.Ltmp0:
0x67: {  	v3 =	vmpcnt.ones.xlane vm0;
	(pc) =	sbr.rel @p0 .LBB2_1-.Ltmp0, $4  }
0x68: {  	s5 =	spop (v2sf)  }
0x69: {  	(v2sf) =	vpush v3, $0x0;
	s2 =	sadd.s32 s2, s5  }
0x6a: {  	[tilespmem:s2+$0x2100] =	vst.msk vm0, v0  }
0x6b: {  	s5 =	sshra.s32 s4, $0x2;
	s4 =	sadd.s32 $0x40, s4  }
0x6c: {  	v0 =	vld [tilespmem:s5+$0x1000]  }
0x6d: {  	v3 =	vld [tilespmem:s5+$0x0];
	_ =	sdelay $0x3  }
0x6e: {  	vm0 =	vgt.s32 v0, $0x0  }
0x6f: {  	v0 =	vsel vm0, $0xFF800000, v3  }
0x70: {  	v3 =	vand.u32 $0x7FFFFFFF, v0  }
0x71: {  	vm0 =	vlt.s32 v0, $0x0;
	v4 =	vxor.u32 $0xFFFFFFFF, v0;
	v3 =	vxor.u32 $0x80000000, v3  }
0x72: {  	v3 =	vsel vm0, v4, v3  }
0x73: {  	vm0 =	vgt.u32 v3, v2  }
0x74: {  	v2 =	vmpcnt.ones.xlane vm0;
	_ =	sdelay $0x1  }
0x75: {  	(v2sf) =	vpush v2, $0x0  }
0x76: {  	(v2sf) =	vpush v1, $0x0  }
0x77: {  	(v2sf) =	vpush v1, $0x1  }
0x78: {  	(v2sf) =	vpush v1, $0x2;
	_ =	sdelay $0x1  }
0x79: {  	(v2sf) =	vpush v1, $0x3;
	_ =	sdelay $0x1  }
0x7a: {  	(v2sf) =	vpush v1, $0x4;
	_ =	sdelay $0x1  }
0x7b: {  	(v2sf) =	vpush v1, $0x5;
	_ =	sdelay $0x1  }
0x7c: {  	(v2sf) =	vpush v1, $0x6;
	_ =	sdelay $0x1  }
0x7d: {  	(v2sf) =	vpush v1, $0x7  }
0x7e: {  	s24 =	spop (v2sf)  }
0x7f: {  	(v2sf) =	vpush v1, $0x8;
	s4 =	spop (v2sf)  }
0x80: {  	p0 =	seq.s32 s1, $0x0;
	s6 =	spop (v2sf)  }
0x81: {  	s30 =	smul.u32 $0x3C0, s1;
	s31 =	simm.s32 $0x0;
	(v2sf) =	vpush v1, $0x9;
	s7 =	spop (v2sf)  }
0x82: {  	s2 =	sadd.s32 s2, s24;
	s15 =	smov.u32 s6;
	s8 =	spop (v2sf)  }
0x83: {  	(v2sf) =	vpush v1, $0xA;
	s15 =	simm.s32 @p0 $0x0;
	p0 =	sgt.u32 s1, $0x1;
	s17 =	smov.u32 s7  }
0x84: {  	s6 =	sadd.s32 s6, s7;
	s9 =	spop (v2sf);
	s17 =	simm.s32 @!p0 $0x0  }
0x85: {  	(v2sf) =	vpush v1, $0xB;
	p0 =	sgt.u32 s1, $0x2;
	s19 =	smov.u32 s8;
	s6 =	sadd.s32 s8, s6  }
0x86: {  	s10 =	spop (v2sf);
	s19 =	simm.s32 @!p0 $0x0;
	p0 =	sgt.u32 s1, $0x3  }
0x87: {  	(v2sf) =	vpush v1, $0xC;
	s15 =	sadd.s32 s17, s15;
	s17 =	smov.u32 s9;
	s6 =	sadd.s32 s9, s6  }
0x88: {  	s11 =	spop (v2sf);
	s15 =	sadd.s32 s19, s15;
	s17 =	simm.s32 @!p0 $0x0  }
0x89: {  	p0 =	sgt.u32 s1, $0x4;
	s7 =	smov.u32 s10;
	s6 =	sadd.s32 s10, s6  }
0x8a: {  	(v2sf) =	vpush v1, $0xD;
	s12 =	spop (v2sf);
	s15 =	sadd.s32 s17, s15;
	s7 =	simm.s32 @!p0 $0x0  }
0x8b: {  	(v2sf) =	vpush v1, $0xE;
	p0 =	sgt.u32 s1, $0x5;
	s8 =	smov.u32 s11;
	s6 =	sadd.s32 s11, s6  }
0x8c: {  	(v2sf) =	vpush v1, $0xF;
	s13 =	spop (v2sf);
	s8 =	simm.s32 @!p0 $0x0;
	p0 =	sgt.u32 s1, $0x6  }
0x8d: {  	s9 =	smov.u32 s12;
	s6 =	sadd.s32 s12, s6;
	s7 =	sadd.s32 s7, s15  }
0x8e: {  	s14 =	spop (v2sf);
	s9 =	simm.s32 @!p0 $0x0;
	p0 =	sgt.u32 s1, $0x7  }
0x8f: {  	s10 =	smov.u32 s13;
	s6 =	sadd.s32 s13, s6;
	s7 =	sadd.s32 s8, s7  }
0x90: {  	s16 =	spop (v2sf);
	s10 =	simm.s32 @!p0 $0x0;
	p0 =	sgt.u32 s1, $0x8  }
0x91: {  	s11 =	smov.u32 s14;
	s6 =	sadd.s32 s14, s6;
	s7 =	sadd.s32 s9, s7  }
0x92: {  	s18 =	spop (v2sf);
	s11 =	simm.s32 @!p0 $0x0;
	p0 =	sgt.u32 s1, $0x9  }
0x93: {  	s12 =	smov.u32 s16;
	s6 =	sadd.s32 s16, s6;
	s7 =	sadd.s32 s10, s7  }
0x94: {  	s25 =	spop (v2sf);
	s12 =	simm.s32 @!p0 $0x0;
	p0 =	sgt.u32 s1, $0xA  }
0x95: {  	s13 =	smov.u32 s18;
	s6 =	sadd.s32 s18, s6;
	s7 =	sadd.s32 s11, s7  }
0x96: {  	s20 =	spop (v2sf);
	s13 =	simm.s32 @!p0 $0x0;
	p0 =	sgt.u32 s1, $0xB  }
0x97: {  	s15 =	smov.u32 s25;
	s6 =	sadd.s32 s25, s6;
	s7 =	sadd.s32 s12, s7  }
0x98: {  	s15 =	simm.s32 @!p0 $0x0;
	p0 =	sgt.u32 s1, $0xC;
	s8 =	smov.u32 s20  }
0x99: {  	s6 =	sadd.s32 s20, s6;
	s7 =	sadd.s32 s13, s7;
	s26 =	spop (v2sf)  }
0x9a: {  	s8 =	simm.s32 @!p0 $0x0;
	s14 =	spop (v2sf);
	s6 =	sadd.s32 s26, s6  }
0x9b: {  	p0 =	sgt.u32 s1, $0xD;
	s28 =	spop (v2sf);
	s6 =	sadd.s32 s14, s6  }
0x9c: {  	s29 =	sadd.s32 s15, s7;
	s9 =	smov.u32 s26;
	s6 =	sadd.s32 s28, s6  }
0x9d: {  	s9 =	simm.s32 @!p0 $0x0;
	p0 =	seq.s32 s1, $0xF;
	s6 =	ssub.s32 $0x3C0, s6  }
0x9e: {  	s4 =	sadd.s32 s2, s4;
	s5 =	sadd.s32 s8, s29;
	s6 =	simm.s32 @!p0 $0x0  }
0x9f: {  	v1 =	vlaneseq.u32;
	s14 =	simm.s32 @!p0 $0x0;
	s5 =	sadd.s32 s9, s5;
	s4 =	sadd.s32 s6, s4  }
0xa0: {  	v5 =	vor.u32 s31, v1;
	s7 =	sadd.s32 $0x3C0, s30;
	s5 =	sadd.s32 s14, s5;
	v2 =	vmov s4  }
0xa1: {  	v3 =	vmov s7;
	v4 =	vmov s5;
	vm1 =	vlt.s32 v5, v2  }
0xa2: {  	v6 =	vsel vm1, v4, v3  }
0xa3: {  	[tilespmem:s2+$0x2100] =	vst.msk vm0, v0;
	s2 =	simm.s32 $0x2500;
	v0 =	vadd.s32 v5, v6  }
0xa4: {  	s4 =	simm.s32 $0x10;
	[tilespmem:s2+$0x0] =	vst v0  }
.LBB2_3:
0xa5: {  	p0 =	sne.s32 s4, $0x3B0  }
.Ltmp1:
0xa6: {  	v0 =	vor.u32 s4, v1;
	s4 =	sadd.s32 $0x10, s4;
	(pc) =	sbr.rel @p0 .LBB2_3-.Ltmp1, $4  }
0xa7: {  	vm0 =	vlt.s32 v0, v2  }
0xa8: {  	v5 =	vsel vm0, v4, v3  }
0xa9: {  	s2 =	sadd.s32 $0x10, s2;
	v0 =	vadd.s32 v0, v5  }
0xaa: {  	[tilespmem:s2+$0x0] =	vst v0  }
0xab: {  	s2 =	simm.s32 $0x3C0  }
0xac: {  	s4 =	simm.s32 $0x2500;
	s5 =	simm.s32 $0x2100;
	s31 =	simm.s32 $0x1  }
0xad: {  	[hbm4b:s3+s2] =	stream.indirect.scatter [tilespmem:s5], [sflag:$0x1], $0x1, s4, s2, $0xb8;
	[tilespmem:$0x2900] =	vst v63  }
0xae: {  	_ =	swait.ge [sflag:s31], $0x3C0  }
0xaf: {  	[sflag:s31] =	ssyncset.done $0x0  }
0xb0: {  	[sflag:s31] =	ssyncadd.s32 $0xFFFFFC40  }
0xb1: {  	_ =	sfence.sel $0x180000  }
0xb2: {  	[bflag:$0x0] =	sbarrier.arrive $0xFFFF  }
0xb3: {  	p0 =	sne.s32 s1, $0x0;
	_ =	strace $0x90000047  }
0xb4: {  	s0 =	sadd.s32 @!p0 $0x100000, s0;
	[bflag:$0x2] =	sbarrier.arrive $0xFFFF  }
0xb5: {  	[sflag:s0] =	ssyncadd.tile.s32 @!p0 $0x1;
	_ =	shalt  }
.Lfunc_end2:
_tile_overlayer_lowered:
.L_overlay_start_2:
0xb6: {  	(tag) =	ssettag $0x2  }
0xb7: {  	s0 =	rddreg [dreg:$0x0];
	s2 =	stileid.u32  }
0xb8: {  	s1 =	rddreg [dreg:$0x1];
	p0 =	sne.s32 s2, $0x0  }
0xb9: {  	s3 =	rddreg [dreg:$0x2];
	[bflag:$0x3] =	sbarrier.arrive $0xFFFF;
	s2 =	simm.s32 @!p0 $0x1C01  }
0xba: {  	[timem:s3], [sflag:s2] =	dma.local @!p0 [hbm:s0], s1  }
0xbb: {  	s0 =	simm.s32 @!p0 $0x1  }
0xbc: {  	_ =	swait.ge @!p0 [sflag:s0], s1  }
0xbd: {  	s1 =	ssub.s32 @!p0 $0x0, s1;
	[sflag:s0] =	ssyncset.done @!p0 $0x0  }
0xbe: {  	[sflag:s0] =	ssyncadd.s32 @!p0 s1  }
0xbf: {  	[bflag:$0x3] =	sbarrier.arrive $0xFFFF  }
0xc0: {  	_ =	shalt  }

</sc_bundles>
